<compile_context>
chip_gen: v7x
topology: tpu7x:2x2x1
jax: 0.10.2.dev20260603
libtpu: 0.0.44.dev20260713+nightly
codegen_flags: <defaults>
</compile_context>

<pallas_src>
import functools

import jax
import jax.numpy as jnp
from jax import lax
from jax.experimental import pallas as pl
from jax.experimental.pallas import tpu as pltpu
from jax.experimental.pallas import tpu_sc as plsc

_VOCAB = 32000
_SRC = 1024
_W = _VOCAB + _SRC
_N = 4096
_EPS = 1e-20

_NC = 2
_NS = 16
_NW = _NC * _NS
_T = _N // _NW
_L = 16


_TPR = _W // 128

_SQRT2 = 1.4142135
_C3 = 1.0 / 3.0
_C5 = 0.2
_C7 = 1.0 / 7.0
_TWO_OVER_LN2 = 2.8853900817779268
_LN2 = 0.6931471805599453


def _sc_probs(scores, target, align, mask):
    mesh = plsc.VectorSubcoreMesh(core_axis_name="c", subcore_axis_name="s")

    @functools.partial(
        pl.kernel,
        mesh=mesh,
        out_type=jax.ShapeDtypeStruct((_NW, _L), jnp.float32),
        scratch_types=[
            pltpu.VMEM((_T,), jnp.int32),
            pltpu.VMEM((_T,), jnp.int32),
            pltpu.VMEM((_T,), jnp.int32),
            pltpu.VMEM((_T,), jnp.int32),
            pltpu.VMEM((_T,), jnp.int32),
            pltpu.VMEM((_T,), jnp.float32),
            pltpu.VMEM((_T,), jnp.float32),
            pltpu.VMEM((_L,), jnp.float32),
            pltpu.SemaphoreType.DMA,
        ],
    )
    def k(scores_hbm, tgt_hbm, align_hbm, mask_hbm, out_hbm,
          tgt_v, al_v, m_v, ix1_v, ix2_v, vp_v, cp_v, p_v, sem):
        wid = lax.axis_index("s") * _NC + lax.axis_index("c")
        base = wid * _T
        s1 = pltpu.async_copy(tgt_hbm.at[pl.ds(base, _T)], tgt_v, sem)
        s2 = pltpu.async_copy(align_hbm.at[pl.ds(base, _T)], al_v, sem)
        s3 = pltpu.async_copy(mask_hbm.at[pl.ds(base, _T)], m_v, sem)
        s1.wait()
        s2.wait()
        lanes = lax.iota(jnp.int32, _L)
        r0 = (wid >> 2) * 512 + (wid & 3)
        for j in range(_T // _L):
            sl = pl.ds(j * _L, _L)
            r = r0 + 4 * (j * _L + lanes)
            tile_base = (r >> 3) * (_TPR * 1024) + (r & 7) * 128
            c1 = tgt_v[sl]
            ix1_v[sl] = tile_base + (c1 >> 7) * 1024 + (c1 & 127)
            c2 = _VOCAB + al_v[sl]
            ix2_v[sl] = tile_base + (c2 >> 7) * 1024 + (c2 & 127)
        g1 = pltpu.async_copy(scores_hbm.at[ix1_v], vp_v, sem)
        g2 = pltpu.async_copy(scores_hbm.at[ix2_v], cp_v, sem)
        s3.wait()
        g1.wait()
        g2.wait()
        acc = jnp.zeros((_L,), jnp.float32)
        for j in range(_T // _L):
            sl = pl.ds(j * _L, _L)
            t = tgt_v[sl]
            a = al_v[sl]
            no_align = a == 0
            cp = jnp.where(no_align, 0.0, cp_v[sl]) + _EPS
            non_copy = no_align | (t != 0)
            p = jnp.where(non_copy, cp + vp_v[sl], cp)
            p = jnp.where(m_v[sl] == 1, 1.0, p)
            x = lax.bitcast_convert_type(p, jnp.int32)
            e = (x >> 23) - 127
            m = lax.bitcast_convert_type((x & 0x007FFFFF) | 0x3F800000, jnp.float32)
            big = m >= _SQRT2
            m = jnp.where(big, m * 0.5, m)
            e = jnp.where(big, e + 1, e)
            s = (m - 1.0) / (m + 1.0)
            s2 = s * s
            at = s * (1.0 + s2 * (_C3 + s2 * (_C5 + s2 * _C7)))
            acc = acc + (e.astype(jnp.float32) + at * _TWO_OVER_LN2)
        p_v[...] = acc
        pltpu.sync_copy(p_v, out_hbm.at[wid])

    return k(scores, target, align, mask)


def _tc_loss(partials):
    def body(p_ref, o_ref):
        o_ref[...] = ((-_LN2) * jnp.sum(p_ref[...])).reshape(1, 1)

    out = pl.pallas_call(
        body,
        out_shape=jax.ShapeDtypeStruct((1, 1), jnp.float32),
    )(partials)
    return out[0, 0]


def kernel(scores, target, align, tgt_loss_mask):
    flat = (
        scores.reshape(_N // 8, 8, _TPR, 128)
        .transpose(0, 2, 1, 3)
        .reshape(-1)
    )

    def _phys(a):
        return (
            a.astype(jnp.int32).reshape(8, 128, 4).transpose(0, 2, 1).reshape(-1)
        )

    probs = _sc_probs(flat, _phys(target), _phys(align), _phys(tgt_loss_mask))
    return _tc_loss(probs)

# --- scband reference (transcript-rebuilt; emitter-appended) ---
"""Pipeline reference for scband-copy-generator-loss-18519898980901 (READ-ONLY COPY).

The authoritative reference and input builder live on the scoring server;
editing this copy changes nothing except your own understanding.
"""

import jax, jax.numpy as jnp
import numpy as np

VOCAB_SIZE = 32000
UNK_INDEX = 0
EPS = 1e-20
TGT_LEN, BATCH = 1024, 4
SRC_LEN = 1024


def setup_inputs(seed: int = 0) -> dict:
    key = jax.random.key(seed)
    k1, k2, k3, k4 = jax.random.split(key, 4)
    n_tok = TGT_LEN * BATCH
    scores = jax.random.uniform(k1, (n_tok, VOCAB_SIZE + SRC_LEN), dtype=jnp.float32)
    target = jax.random.randint(k2, (TGT_LEN, BATCH), 0, VOCAB_SIZE, dtype=jnp.int64 if jax.config.jax_enable_x64 else jnp.int32)
    align = jax.random.randint(k3, (TGT_LEN, BATCH), 0, SRC_LEN, dtype=jnp.int64 if jax.config.jax_enable_x64 else jnp.int32)
    tgt_loss_mask = jax.random.randint(k4, (TGT_LEN, BATCH), 0, 2, dtype=jnp.int64 if jax.config.jax_enable_x64 else jnp.int32)
    return {"scores": scores, "target": target, "align": align, "tgt_loss_mask": tgt_loss_mask}


def reference(scores, target, align, tgt_loss_mask):
    # force_copy=False, only_disf_loss=True
    target = target.reshape(-1)
    align = align.reshape(-1)
    tgt_loss_mask = tgt_loss_mask.reshape(-1)
    # gather probability of gold vocab token
    vocab_probs = jnp.take_along_axis(scores, target[:, None], axis=1)[:, 0]
    # gather probability of copy position (offset by vocab_size)
    copy_ix = align + VOCAB_SIZE
    copy_tok_probs = jnp.take_along_axis(scores, copy_ix[:, None], axis=1)[:, 0]
    # zero out copy prob where there is no alignment (align == unk)
    copy_tok_probs = jnp.where(align == UNK_INDEX, 0.0, copy_tok_probs)
    copy_tok_probs = copy_tok_probs + EPS
    non_copy = align == UNK_INDEX
    # not force_copy: also count vocab prob when target is a real (non-unk) token
    non_copy = non_copy | (target != UNK_INDEX)
    probs = jnp.where(non_copy, copy_tok_probs + vocab_probs, copy_tok_probs)
    loss = -jnp.log(probs)
    # only_disf_loss=True: zero out positions flagged by tgt_loss_mask
    loss = jnp.where(tgt_loss_mask == 1, 0.0, loss)
    return loss.sum()


if False:  # reference __main__ guard neutralized (emitter)
    out = reference(**setup_inputs())
    print(out)

if __name__ == "__main__":
    import jax
    _d = setup_inputs()
    print(jax.jit(kernel)(*tuple(_d.values())))

</pallas_src>

<mosaic_0001>
#map = affine_map<(d0, d1) -> (0)>
#map1 = affine_map<(d0, d1) -> (0, 0)>
module attributes {stable_mosaic.version = 14 : i64} {
  func.func @k(%arg0: i32, %arg1: i32, %arg2: memref<135266304xf32, #tpu.memory_space<hbm>>, %arg3: memref<4096xi32, #tpu.memory_space<hbm>>, %arg4: memref<4096xi32, #tpu.memory_space<hbm>>, %arg5: memref<4096xi32, #tpu.memory_space<hbm>>, %arg6: memref<32x16xf32, #tpu.memory_space<hbm>>, %arg7: memref<128xi32, #tpu.memory_space<vmem>>, %arg8: memref<128xi32, #tpu.memory_space<vmem>>, %arg9: memref<128xi32, #tpu.memory_space<vmem>>, %arg10: memref<128xi32, #tpu.memory_space<vmem>>, %arg11: memref<128xi32, #tpu.memory_space<vmem>>, %arg12: memref<128xf32, #tpu.memory_space<vmem>>, %arg13: memref<128xf32, #tpu.memory_space<vmem>>, %arg14: memref<16xf32, #tpu.memory_space<vmem>>, %arg15: memref<!tpu.dma_semaphore, #tpu.memory_space<semaphore_mem>>) attributes {dimension_semantics = [#tpu.dimension_semantics<core_parallel>, #tpu.dimension_semantics<subcore_parallel>], iteration_bounds = array<i64: 2, 16>, scalar_prefetch = 0 : i64, scratch_operands = 9 : i64, tpu.core_type = #tpu.core_type<sc_vector_subcore>, window_params = [{transform_indices = #map}, {transform_indices = #map}, {transform_indices = #map}, {transform_indices = #map}, {transform_indices = #map1}]} {
    %mul3A = arith.constant 2 : i32
    %mul3A_0 = arith.muli %arg1, %mul3A : i32
    %add3A = arith.addi %mul3A_0, %arg0 : i32
    %mul3A_1 = arith.constant 128 : i32
    %mul3A_2 = arith.muli %add3A, %mul3A_1 : i32
    %dma_start3A = tpu.memref_slice %arg3[%mul3A_2] : memref<4096xi32, #tpu.memory_space<hbm>> -> memref<128xi32, #tpu.memory_space<hbm>>
    %dma_start3A_3 = tpu.memref_slice %arg3[%mul3A_2] : memref<4096xi32, #tpu.memory_space<hbm>> -> memref<128xi32, #tpu.memory_space<hbm>>
    tpu.enqueue_dma source(%dma_start3A_3 : memref<128xi32, #tpu.memory_space<hbm>>) target(%arg7 : memref<128xi32, #tpu.memory_space<vmem>>) target_semaphore(%arg15 : memref<!tpu.dma_semaphore, #tpu.memory_space<semaphore_mem>>)
    %dma_start3A_4 = tpu.memref_slice %arg4[%mul3A_2] : memref<4096xi32, #tpu.memory_space<hbm>> -> memref<128xi32, #tpu.memory_space<hbm>>
    %dma_start3A_5 = tpu.memref_slice %arg4[%mul3A_2] : memref<4096xi32, #tpu.memory_space<hbm>> -> memref<128xi32, #tpu.memory_space<hbm>>
    tpu.enqueue_dma source(%dma_start3A_5 : memref<128xi32, #tpu.memory_space<hbm>>) target(%arg8 : memref<128xi32, #tpu.memory_space<vmem>>) target_semaphore(%arg15 : memref<!tpu.dma_semaphore, #tpu.memory_space<semaphore_mem>>)
    %dma_start3A_6 = tpu.memref_slice %arg5[%mul3A_2] : memref<4096xi32, #tpu.memory_space<hbm>> -> memref<128xi32, #tpu.memory_space<hbm>>
    %dma_start3A_7 = tpu.memref_slice %arg5[%mul3A_2] : memref<4096xi32, #tpu.memory_space<hbm>> -> memref<128xi32, #tpu.memory_space<hbm>>
    tpu.enqueue_dma source(%dma_start3A_7 : memref<128xi32, #tpu.memory_space<hbm>>) target(%arg9 : memref<128xi32, #tpu.memory_space<vmem>>) target_semaphore(%arg15 : memref<!tpu.dma_semaphore, #tpu.memory_space<semaphore_mem>>)
    %dma_wait3A = tpu.memref_slice %arg3[%mul3A_2] : memref<4096xi32, #tpu.memory_space<hbm>> -> memref<128xi32, #tpu.memory_space<hbm>>
    %dma_wait3A_8 = tpu.memref_slice %arg3[%mul3A_2] : memref<4096xi32, #tpu.memory_space<hbm>> -> memref<128xi32, #tpu.memory_space<hbm>>
    tpu.wait_dma2 semaphore(%arg15 : memref<!tpu.dma_semaphore, #tpu.memory_space<semaphore_mem>>) src(%dma_wait3A_8 : memref<128xi32, #tpu.memory_space<hbm>>) dst(%arg7 : memref<128xi32, #tpu.memory_space<vmem>>)
    %dma_wait3A_9 = tpu.memref_slice %arg4[%mul3A_2] : memref<4096xi32, #tpu.memory_space<hbm>> -> memref<128xi32, #tpu.memory_space<hbm>>
    %dma_wait3A_10 = tpu.memref_slice %arg4[%mul3A_2] : memref<4096xi32, #tpu.memory_space<hbm>> -> memref<128xi32, #tpu.memory_space<hbm>>
    tpu.wait_dma2 semaphore(%arg15 : memref<!tpu.dma_semaphore, #tpu.memory_space<semaphore_mem>>) src(%dma_wait3A_10 : memref<128xi32, #tpu.memory_space<hbm>>) dst(%arg8 : memref<128xi32, #tpu.memory_space<vmem>>)
    %iota3A = tpu.iota {dimensions = array<i32: 0>} : vector<16xi32>
    %shift_right_arithmetic3A = arith.constant 2 : i32
    %shift_right_arithmetic3A_11 = arith.shrsi %add3A, %shift_right_arithmetic3A : i32
    %mul3A_12 = arith.constant 512 : i32
    %mul3A_13 = arith.muli %shift_right_arithmetic3A_11, %mul3A_12 : i32
    %and3A = arith.constant 3 : i32
    %and3A_14 = arith.andi %add3A, %and3A : i32
    %add3A_15 = arith.addi %mul3A_13, %and3A_14 : i32
    %add3A_16 = arith.constant 0 : i32
    %add3A_17 = vector.broadcast %add3A_16 : i32 to vector<16xi32>
    %add3A_18 = arith.addi %add3A_17, %iota3A : vector<16xi32>
    %mul3A_19 = arith.constant 4 : i32
    %mul3A_20 = vector.broadcast %mul3A_19 : i32 to vector<16xi32>
    %mul3A_21 = arith.muli %mul3A_20, %add3A_18 : vector<16xi32>
    %add3A_22 = vector.broadcast %add3A_15 : i32 to vector<16xi32>
    %add3A_23 = arith.addi %add3A_22, %mul3A_21 : vector<16xi32>
    %shift_right_arithmetic3A_24 = arith.constant 3 : i32
    %shift_right_arithmetic3A_25 = vector.broadcast %shift_right_arithmetic3A_24 : i32 to vector<16xi32>
    %shift_right_arithmetic3A_26 = arith.shrsi %add3A_23, %shift_right_arithmetic3A_25 : vector<16xi32>
    %mul3A_27 = arith.constant 264192 : i32
    %mul3A_28 = vector.broadcast %mul3A_27 : i32 to vector<16xi32>
    %mul3A_29 = arith.muli %shift_right_arithmetic3A_26, %mul3A_28 : vector<16xi32>
    %and3A_30 = arith.constant 7 : i32
    %and3A_31 = vector.broadcast %and3A_30 : i32 to vector<16xi32>
    %and3A_32 = arith.andi %add3A_23, %and3A_31 : vector<16xi32>
    %mul3A_33 = arith.constant 128 : i32
    %mul3A_34 = vector.broadcast %mul3A_33 : i32 to vector<16xi32>
    %mul3A_35 = arith.muli %and3A_32, %mul3A_34 : vector<16xi32>
    %add3A_36 = arith.addi %mul3A_29, %mul3A_35 : vector<16xi32>
    %get3A = arith.constant 0 : index
    %get3A_37 = tpu.vector_load %arg7[%get3A] {strides = array<i32>} : memref<128xi32, #tpu.memory_space<vmem>>, vector<16xi32>,
    %get3A_38 = vector.shape_cast %get3A_37 : vector<16xi32> to vector<16xi32>
    %shift_right_arithmetic3A_39 = arith.constant 7 : i32
    %shift_right_arithmetic3A_40 = vector.broadcast %shift_right_arithmetic3A_39 : i32 to vector<16xi32>
    %shift_right_arithmetic3A_41 = arith.shrsi %get3A_38, %shift_right_arithmetic3A_40 : vector<16xi32>
    %mul3A_42 = arith.constant 1024 : i32
    %mul3A_43 = vector.broadcast %mul3A_42 : i32 to vector<16xi32>
    %mul3A_44 = arith.muli %shift_right_arithmetic3A_41, %mul3A_43 : vector<16xi32>
    %add3A_45 = arith.addi %add3A_36, %mul3A_44 : vector<16xi32>
    %and3A_46 = arith.constant 127 : i32
    %and3A_47 = vector.broadcast %and3A_46 : i32 to vector<16xi32>
    %and3A_48 = arith.andi %get3A_38, %and3A_47 : vector<16xi32>
    %add3A_49 = arith.addi %add3A_45, %and3A_48 : vector<16xi32>
    %swap3A = arith.constant 0 : index
    %swap3A_50 = tpu.vector_load %arg10[%swap3A] {strides = array<i32>} : memref<128xi32, #tpu.memory_space<vmem>>, vector<16xi32>,
    %swap3A_51 = vector.shape_cast %swap3A_50 : vector<16xi32> to vector<16xi32>
    %swap3A_52 = vector.shape_cast %add3A_49 : vector<16xi32> to vector<16xi32>
    tpu.vector_store %arg10[%swap3A], %swap3A_52 {strides = array<i32>} : memref<128xi32, #tpu.memory_space<vmem>>, vector<16xi32>,
    %get3A_53 = arith.constant 0 : index
    %get3A_54 = tpu.vector_load %arg8[%get3A_53] {strides = array<i32>} : memref<128xi32, #tpu.memory_space<vmem>>, vector<16xi32>,
    %get3A_55 = vector.shape_cast %get3A_54 : vector<16xi32> to vector<16xi32>
    %add3A_56 = arith.constant 32000 : i32
    %add3A_57 = vector.broadcast %add3A_56 : i32 to vector<16xi32>
    %add3A_58 = arith.addi %add3A_57, %get3A_55 : vector<16xi32>
    %shift_right_arithmetic3A_59 = arith.constant 7 : i32
    %shift_right_arithmetic3A_60 = vector.broadcast %shift_right_arithmetic3A_59 : i32 to vector<16xi32>
    %shift_right_arithmetic3A_61 = arith.shrsi %add3A_58, %shift_right_arithmetic3A_60 : vector<16xi32>
    %mul3A_62 = arith.constant 1024 : i32
    %mul3A_63 = vector.broadcast %mul3A_62 : i32 to vector<16xi32>
    %mul3A_64 = arith.muli %shift_right_arithmetic3A_61, %mul3A_63 : vector<16xi32>
    %add3A_65 = arith.addi %add3A_36, %mul3A_64 : vector<16xi32>
    %and3A_66 = arith.constant 127 : i32
    %and3A_67 = vector.broadcast %and3A_66 : i32 to vector<16xi32>
    %and3A_68 = arith.andi %add3A_58, %and3A_67 : vector<16xi32>
    %add3A_69 = arith.addi %add3A_65, %and3A_68 : vector<16xi32>
    %swap3A_70 = arith.constant 0 : index
    %swap3A_71 = tpu.vector_load %arg11[%swap3A_70] {strides = array<i32>} : memref<128xi32, #tpu.memory_space<vmem>>, vector<16xi32>,
    %swap3A_72 = vector.shape_cast %swap3A_71 : vector<16xi32> to vector<16xi32>
    %swap3A_73 = vector.shape_cast %add3A_69 : vector<16xi32> to vector<16xi32>
    tpu.vector_store %arg11[%swap3A_70], %swap3A_73 {strides = array<i32>} : memref<128xi32, #tpu.memory_space<vmem>>, vector<16xi32>,
    %add3A_74 = arith.constant 16 : i32
    %add3A_75 = vector.broadcast %add3A_74 : i32 to vector<16xi32>
    %add3A_76 = arith.addi %add3A_75, %iota3A : vector<16xi32>
    %mul3A_77 = arith.constant 4 : i32
    %mul3A_78 = vector.broadcast %mul3A_77 : i32 to vector<16xi32>
    %mul3A_79 = arith.muli %mul3A_78, %add3A_76 : vector<16xi32>
    %add3A_80 = vector.broadcast %add3A_15 : i32 to vector<16xi32>
    %add3A_81 = arith.addi %add3A_80, %mul3A_79 : vector<16xi32>
    %shift_right_arithmetic3A_82 = arith.constant 3 : i32
    %shift_right_arithmetic3A_83 = vector.broadcast %shift_right_arithmetic3A_82 : i32 to vector<16xi32>
    %shift_right_arithmetic3A_84 = arith.shrsi %add3A_81, %shift_right_arithmetic3A_83 : vector<16xi32>
    %mul3A_85 = arith.constant 264192 : i32
    %mul3A_86 = vector.broadcast %mul3A_85 : i32 to vector<16xi32>
    %mul3A_87 = arith.muli %shift_right_arithmetic3A_84, %mul3A_86 : vector<16xi32>
    %and3A_88 = arith.constant 7 : i32
    %and3A_89 = vector.broadcast %and3A_88 : i32 to vector<16xi32>
    %and3A_90 = arith.andi %add3A_81, %and3A_89 : vector<16xi32>
    %mul3A_91 = arith.constant 128 : i32
    %mul3A_92 = vector.broadcast %mul3A_91 : i32 to vector<16xi32>
    %mul3A_93 = arith.muli %and3A_90, %mul3A_92 : vector<16xi32>
    %add3A_94 = arith.addi %mul3A_87, %mul3A_93 : vector<16xi32>
    %get3A_95 = arith.constant 16 : index
    %get3A_96 = tpu.vector_load %arg7[%get3A_95] {strides = array<i32>} : memref<128xi32, #tpu.memory_space<vmem>>, vector<16xi32>,
    %get3A_97 = vector.shape_cast %get3A_96 : vector<16xi32> to vector<16xi32>
    %shift_right_arithmetic3A_98 = arith.constant 7 : i32
    %shift_right_arithmetic3A_99 = vector.broadcast %shift_right_arithmetic3A_98 : i32 to vector<16xi32>
    %shift_right_arithmetic3A_100 = arith.shrsi %get3A_97, %shift_right_arithmetic3A_99 : vector<16xi32>
    %mul3A_101 = arith.constant 1024 : i32
    %mul3A_102 = vector.broadcast %mul3A_101 : i32 to vector<16xi32>
    %mul3A_103 = arith.muli %shift_right_arithmetic3A_100, %mul3A_102 : vector<16xi32>
    %add3A_104 = arith.addi %add3A_94, %mul3A_103 : vector<16xi32>
    %and3A_105 = arith.constant 127 : i32
    %and3A_106 = vector.broadcast %and3A_105 : i32 to vector<16xi32>
    %and3A_107 = arith.andi %get3A_97, %and3A_106 : vector<16xi32>
    %add3A_108 = arith.addi %add3A_104, %and3A_107 : vector<16xi32>
    %swap3A_109 = arith.constant 16 : index
    %swap3A_110 = tpu.vector_load %arg10[%swap3A_109] {strides = array<i32>} : memref<128xi32, #tpu.memory_space<vmem>>, vector<16xi32>,
    %swap3A_111 = vector.shape_cast %swap3A_110 : vector<16xi32> to vector<16xi32>
    %swap3A_112 = vector.shape_cast %add3A_108 : vector<16xi32> to vector<16xi32>
    tpu.vector_store %arg10[%swap3A_109], %swap3A_112 {strides = array<i32>} : memref<128xi32, #tpu.memory_space<vmem>>, vector<16xi32>,
    %get3A_113 = arith.constant 16 : index
    %get3A_114 = tpu.vector_load %arg8[%get3A_113] {strides = array<i32>} : memref<128xi32, #tpu.memory_space<vmem>>, vector<16xi32>,
    %get3A_115 = vector.shape_cast %get3A_114 : vector<16xi32> to vector<16xi32>
    %add3A_116 = arith.constant 32000 : i32
    %add3A_117 = vector.broadcast %add3A_116 : i32 to vector<16xi32>
    %add3A_118 = arith.addi %add3A_117, %get3A_115 : vector<16xi32>
    %shift_right_arithmetic3A_119 = arith.constant 7 : i32
    %shift_right_arithmetic3A_120 = vector.broadcast %shift_right_arithmetic3A_119 : i32 to vector<16xi32>
    %shift_right_arithmetic3A_121 = arith.shrsi %add3A_118, %shift_right_arithmetic3A_120 : vector<16xi32>
    %mul3A_122 = arith.constant 1024 : i32
    %mul3A_123 = vector.broadcast %mul3A_122 : i32 to vector<16xi32>
    %mul3A_124 = arith.muli %shift_right_arithmetic3A_121, %mul3A_123 : vector<16xi32>
    %add3A_125 = arith.addi %add3A_94, %mul3A_124 : vector<16xi32>
    %and3A_126 = arith.constant 127 : i32
    %and3A_127 = vector.broadcast %and3A_126 : i32 to vector<16xi32>
    %and3A_128 = arith.andi %add3A_118, %and3A_127 : vector<16xi32>
    %add3A_129 = arith.addi %add3A_125, %and3A_128 : vector<16xi32>
    %swap3A_130 = arith.constant 16 : index
    %swap3A_131 = tpu.vector_load %arg11[%swap3A_130] {strides = array<i32>} : memref<128xi32, #tpu.memory_space<vmem>>, vector<16xi32>,
    %swap3A_132 = vector.shape_cast %swap3A_131 : vector<16xi32> to vector<16xi32>
    %swap3A_133 = vector.shape_cast %add3A_129 : vector<16xi32> to vector<16xi32>
    tpu.vector_store %arg11[%swap3A_130], %swap3A_133 {strides = array<i32>} : memref<128xi32, #tpu.memory_space<vmem>>, vector<16xi32>,
    %add3A_134 = arith.constant 32 : i32
    %add3A_135 = vector.broadcast %add3A_134 : i32 to vector<16xi32>
    %add3A_136 = arith.addi %add3A_135, %iota3A : vector<16xi32>
    %mul3A_137 = arith.constant 4 : i32
    %mul3A_138 = vector.broadcast %mul3A_137 : i32 to vector<16xi32>
    %mul3A_139 = arith.muli %mul3A_138, %add3A_136 : vector<16xi32>
    %add3A_140 = vector.broadcast %add3A_15 : i32 to vector<16xi32>
    %add3A_141 = arith.addi %add3A_140, %mul3A_139 : vector<16xi32>
    %shift_right_arithmetic3A_142 = arith.constant 3 : i32
    %shift_right_arithmetic3A_143 = vector.broadcast %shift_right_arithmetic3A_142 : i32 to vector<16xi32>
    %shift_right_arithmetic3A_144 = arith.shrsi %add3A_141, %shift_right_arithmetic3A_143 : vector<16xi32>
    %mul3A_145 = arith.constant 264192 : i32
    %mul3A_146 = vector.broadcast %mul3A_145 : i32 to vector<16xi32>
    %mul3A_147 = arith.muli %shift_right_arithmetic3A_144, %mul3A_146 : vector<16xi32>
    %and3A_148 = arith.constant 7 : i32
    %and3A_149 = vector.broadcast %and3A_148 : i32 to vector<16xi32>
    %and3A_150 = arith.andi %add3A_141, %and3A_149 : vector<16xi32>
    %mul3A_151 = arith.constant 128 : i32
    %mul3A_152 = vector.broadcast %mul3A_151 : i32 to vector<16xi32>
    %mul3A_153 = arith.muli %and3A_150, %mul3A_152 : vector<16xi32>
    %add3A_154 = arith.addi %mul3A_147, %mul3A_153 : vector<16xi32>
    %get3A_155 = arith.constant 32 : index
    %get3A_156 = tpu.vector_load %arg7[%get3A_155] {strides = array<i32>} : memref<128xi32, #tpu.memory_space<vmem>>, vector<16xi32>,
    %get3A_157 = vector.shape_cast %get3A_156 : vector<16xi32> to vector<16xi32>
    %shift_right_arithmetic3A_158 = arith.constant 7 : i32
    %shift_right_arithmetic3A_159 = vector.broadcast %shift_right_arithmetic3A_158 : i32 to vector<16xi32>
    %shift_right_arithmetic3A_160 = arith.shrsi %get3A_157, %shift_right_arithmetic3A_159 : vector<16xi32>
    %mul3A_161 = arith.constant 1024 : i32
    %mul3A_162 = vector.broadcast %mul3A_161 : i32 to vector<16xi32>
    %mul3A_163 = arith.muli %shift_right_arithmetic3A_160, %mul3A_162 : vector<16xi32>
    %add3A_164 = arith.addi %add3A_154, %mul3A_163 : vector<16xi32>
    %and3A_165 = arith.constant 127 : i32
    %and3A_166 = vector.broadcast %and3A_165 : i32 to vector<16xi32>
    %and3A_167 = arith.andi %get3A_157, %and3A_166 : vector<16xi32>
    %add3A_168 = arith.addi %add3A_164, %and3A_167 : vector<16xi32>
    %swap3A_169 = arith.constant 32 : index
    %swap3A_170 = tpu.vector_load %arg10[%swap3A_169] {strides = array<i32>} : memref<128xi32, #tpu.memory_space<vmem>>, vector<16xi32>,
    %swap3A_171 = vector.shape_cast %swap3A_170 : vector<16xi32> to vector<16xi32>
    %swap3A_172 = vector.shape_cast %add3A_168 : vector<16xi32> to vector<16xi32>
    tpu.vector_store %arg10[%swap3A_169], %swap3A_172 {strides = array<i32>} : memref<128xi32, #tpu.memory_space<vmem>>, vector<16xi32>,
    %get3A_173 = arith.constant 32 : index
    %get3A_174 = tpu.vector_load %arg8[%get3A_173] {strides = array<i32>} : memref<128xi32, #tpu.memory_space<vmem>>, vector<16xi32>,
    %get3A_175 = vector.shape_cast %get3A_174 : vector<16xi32> to vector<16xi32>
    %add3A_176 = arith.constant 32000 : i32
    %add3A_177 = vector.broadcast %add3A_176 : i32 to vector<16xi32>
    %add3A_178 = arith.addi %add3A_177, %get3A_175 : vector<16xi32>
    %shift_right_arithmetic3A_179 = arith.constant 7 : i32
    %shift_right_arithmetic3A_180 = vector.broadcast %shift_right_arithmetic3A_179 : i32 to vector<16xi32>
    %shift_right_arithmetic3A_181 = arith.shrsi %add3A_178, %shift_right_arithmetic3A_180 : vector<16xi32>
    %mul3A_182 = arith.constant 1024 : i32
    %mul3A_183 = vector.broadcast %mul3A_182 : i32 to vector<16xi32>
    %mul3A_184 = arith.muli %shift_right_arithmetic3A_181, %mul3A_183 : vector<16xi32>
    %add3A_185 = arith.addi %add3A_154, %mul3A_184 : vector<16xi32>
    %and3A_186 = arith.constant 127 : i32
    %and3A_187 = vector.broadcast %and3A_186 : i32 to vector<16xi32>
    %and3A_188 = arith.andi %add3A_178, %and3A_187 : vector<16xi32>
    %add3A_189 = arith.addi %add3A_185, %and3A_188 : vector<16xi32>
    %swap3A_190 = arith.constant 32 : index
    %swap3A_191 = tpu.vector_load %arg11[%swap3A_190] {strides = array<i32>} : memref<128xi32, #tpu.memory_space<vmem>>, vector<16xi32>,
    %swap3A_192 = vector.shape_cast %swap3A_191 : vector<16xi32> to vector<16xi32>
    %swap3A_193 = vector.shape_cast %add3A_189 : vector<16xi32> to vector<16xi32>
    tpu.vector_store %arg11[%swap3A_190], %swap3A_193 {strides = array<i32>} : memref<128xi32, #tpu.memory_space<vmem>>, vector<16xi32>,
    %add3A_194 = arith.constant 48 : i32
    %add3A_195 = vector.broadcast %add3A_194 : i32 to vector<16xi32>
    %add3A_196 = arith.addi %add3A_195, %iota3A : vector<16xi32>
    %mul3A_197 = arith.constant 4 : i32
    %mul3A_198 = vector.broadcast %mul3A_197 : i32 to vector<16xi32>
    %mul3A_199 = arith.muli %mul3A_198, %add3A_196 : vector<16xi32>
    %add3A_200 = vector.broadcast %add3A_15 : i32 to vector<16xi32>
    %add3A_201 = arith.addi %add3A_200, %mul3A_199 : vector<16xi32>
    %shift_right_arithmetic3A_202 = arith.constant 3 : i32
    %shift_right_arithmetic3A_203 = vector.broadcast %shift_right_arithmetic3A_202 : i32 to vector<16xi32>
    %shift_right_arithmetic3A_204 = arith.shrsi %add3A_201, %shift_right_arithmetic3A_203 : vector<16xi32>
    %mul3A_205 = arith.constant 264192 : i32
    %mul3A_206 = vector.broadcast %mul3A_205 : i32 to vector<16xi32>
    %mul3A_207 = arith.muli %shift_right_arithmetic3A_204, %mul3A_206 : vector<16xi32>
    %and3A_208 = arith.constant 7 : i32
    %and3A_209 = vector.broadcast %and3A_208 : i32 to vector<16xi32>
    %and3A_210 = arith.andi %add3A_201, %and3A_209 : vector<16xi32>
    %mul3A_211 = arith.constant 128 : i32
    %mul3A_212 = vector.broadcast %mul3A_211 : i32 to vector<16xi32>
    %mul3A_213 = arith.muli %and3A_210, %mul3A_212 : vector<16xi32>
    %add3A_214 = arith.addi %mul3A_207, %mul3A_213 : vector<16xi32>
    %get3A_215 = arith.constant 48 : index
    %get3A_216 = tpu.vector_load %arg7[%get3A_215] {strides = array<i32>} : memref<128xi32, #tpu.memory_space<vmem>>, vector<16xi32>,
    %get3A_217 = vector.shape_cast %get3A_216 : vector<16xi32> to vector<16xi32>
    %shift_right_arithmetic3A_218 = arith.constant 7 : i32
    %shift_right_arithmetic3A_219 = vector.broadcast %shift_right_arithmetic3A_218 : i32 to vector<16xi32>
    %shift_right_arithmetic3A_220 = arith.shrsi %get3A_217, %shift_right_arithmetic3A_219 : vector<16xi32>
    %mul3A_221 = arith.constant 1024 : i32
    %mul3A_222 = vector.broadcast %mul3A_221 : i32 to vector<16xi32>
    %mul3A_223 = arith.muli %shift_right_arithmetic3A_220, %mul3A_222 : vector<16xi32>
    %add3A_224 = arith.addi %add3A_214, %mul3A_223 : vector<16xi32>
    %and3A_225 = arith.constant 127 : i32
    %and3A_226 = vector.broadcast %and3A_225 : i32 to vector<16xi32>
    %and3A_227 = arith.andi %get3A_217, %and3A_226 : vector<16xi32>
    %add3A_228 = arith.addi %add3A_224, %and3A_227 : vector<16xi32>
    %swap3A_229 = arith.constant 48 : index
    %swap3A_230 = tpu.vector_load %arg10[%swap3A_229] {strides = array<i32>} : memref<128xi32, #tpu.memory_space<vmem>>, vector<16xi32>,
    %swap3A_231 = vector.shape_cast %swap3A_230 : vector<16xi32> to vector<16xi32>
    %swap3A_232 = vector.shape_cast %add3A_228 : vector<16xi32> to vector<16xi32>
    tpu.vector_store %arg10[%swap3A_229], %swap3A_232 {strides = array<i32>} : memref<128xi32, #tpu.memory_space<vmem>>, vector<16xi32>,
    %get3A_233 = arith.constant 48 : index
    %get3A_234 = tpu.vector_load %arg8[%get3A_233] {strides = array<i32>} : memref<128xi32, #tpu.memory_space<vmem>>, vector<16xi32>,
    %get3A_235 = vector.shape_cast %get3A_234 : vector<16xi32> to vector<16xi32>
    %add3A_236 = arith.constant 32000 : i32
    %add3A_237 = vector.broadcast %add3A_236 : i32 to vector<16xi32>
    %add3A_238 = arith.addi %add3A_237, %get3A_235 : vector<16xi32>
    %shift_right_arithmetic3A_239 = arith.constant 7 : i32
    %shift_right_arithmetic3A_240 = vector.broadcast %shift_right_arithmetic3A_239 : i32 to vector<16xi32>
    %shift_right_arithmetic3A_241 = arith.shrsi %add3A_238, %shift_right_arithmetic3A_240 : vector<16xi32>
    %mul3A_242 = arith.constant 1024 : i32
    %mul3A_243 = vector.broadcast %mul3A_242 : i32 to vector<16xi32>
    %mul3A_244 = arith.muli %shift_right_arithmetic3A_241, %mul3A_243 : vector<16xi32>
    %add3A_245 = arith.addi %add3A_214, %mul3A_244 : vector<16xi32>
    %and3A_246 = arith.constant 127 : i32
    %and3A_247 = vector.broadcast %and3A_246 : i32 to vector<16xi32>
    %and3A_248 = arith.andi %add3A_238, %and3A_247 : vector<16xi32>
    %add3A_249 = arith.addi %add3A_245, %and3A_248 : vector<16xi32>
    %swap3A_250 = arith.constant 48 : index
    %swap3A_251 = tpu.vector_load %arg11[%swap3A_250] {strides = array<i32>} : memref<128xi32, #tpu.memory_space<vmem>>, vector<16xi32>,
    %swap3A_252 = vector.shape_cast %swap3A_251 : vector<16xi32> to vector<16xi32>
    %swap3A_253 = vector.shape_cast %add3A_249 : vector<16xi32> to vector<16xi32>
    tpu.vector_store %arg11[%swap3A_250], %swap3A_253 {strides = array<i32>} : memref<128xi32, #tpu.memory_space<vmem>>, vector<16xi32>,
    %add3A_254 = arith.constant 64 : i32
    %add3A_255 = vector.broadcast %add3A_254 : i32 to vector<16xi32>
    %add3A_256 = arith.addi %add3A_255, %iota3A : vector<16xi32>
    %mul3A_257 = arith.constant 4 : i32
    %mul3A_258 = vector.broadcast %mul3A_257 : i32 to vector<16xi32>
    %mul3A_259 = arith.muli %mul3A_258, %add3A_256 : vector<16xi32>
    %add3A_260 = vector.broadcast %add3A_15 : i32 to vector<16xi32>
    %add3A_261 = arith.addi %add3A_260, %mul3A_259 : vector<16xi32>
    %shift_right_arithmetic3A_262 = arith.constant 3 : i32
    %shift_right_arithmetic3A_263 = vector.broadcast %shift_right_arithmetic3A_262 : i32 to vector<16xi32>
    %shift_right_arithmetic3A_264 = arith.shrsi %add3A_261, %shift_right_arithmetic3A_263 : vector<16xi32>
    %mul3A_265 = arith.constant 264192 : i32
    %mul3A_266 = vector.broadcast %mul3A_265 : i32 to vector<16xi32>
    %mul3A_267 = arith.muli %shift_right_arithmetic3A_264, %mul3A_266 : vector<16xi32>
    %and3A_268 = arith.constant 7 : i32
    %and3A_269 = vector.broadcast %and3A_268 : i32 to vector<16xi32>
    %and3A_270 = arith.andi %add3A_261, %and3A_269 : vector<16xi32>
    %mul3A_271 = arith.constant 128 : i32
    %mul3A_272 = vector.broadcast %mul3A_271 : i32 to vector<16xi32>
    %mul3A_273 = arith.muli %and3A_270, %mul3A_272 : vector<16xi32>
    %add3A_274 = arith.addi %mul3A_267, %mul3A_273 : vector<16xi32>
    %get3A_275 = arith.constant 64 : index
    %get3A_276 = tpu.vector_load %arg7[%get3A_275] {strides = array<i32>} : memref<128xi32, #tpu.memory_space<vmem>>, vector<16xi32>,
    %get3A_277 = vector.shape_cast %get3A_276 : vector<16xi32> to vector<16xi32>
    %shift_right_arithmetic3A_278 = arith.constant 7 : i32
    %shift_right_arithmetic3A_279 = vector.broadcast %shift_right_arithmetic3A_278 : i32 to vector<16xi32>
    %shift_right_arithmetic3A_280 = arith.shrsi %get3A_277, %shift_right_arithmetic3A_279 : vector<16xi32>
    %mul3A_281 = arith.constant 1024 : i32
    %mul3A_282 = vector.broadcast %mul3A_281 : i32 to vector<16xi32>
    %mul3A_283 = arith.muli %shift_right_arithmetic3A_280, %mul3A_282 : vector<16xi32>
    %add3A_284 = arith.addi %add3A_274, %mul3A_283 : vector<16xi32>
    %and3A_285 = arith.constant 127 : i32
    %and3A_286 = vector.broadcast %and3A_285 : i32 to vector<16xi32>
    %and3A_287 = arith.andi %get3A_277, %and3A_286 : vector<16xi32>
    %add3A_288 = arith.addi %add3A_284, %and3A_287 : vector<16xi32>
    %swap3A_289 = arith.constant 64 : index
    %swap3A_290 = tpu.vector_load %arg10[%swap3A_289] {strides = array<i32>} : memref<128xi32, #tpu.memory_space<vmem>>, vector<16xi32>,
    %swap3A_291 = vector.shape_cast %swap3A_290 : vector<16xi32> to vector<16xi32>
    %swap3A_292 = vector.shape_cast %add3A_288 : vector<16xi32> to vector<16xi32>
    tpu.vector_store %arg10[%swap3A_289], %swap3A_292 {strides = array<i32>} : memref<128xi32, #tpu.memory_space<vmem>>, vector<16xi32>,
    %get3A_293 = arith.constant 64 : index
    %get3A_294 = tpu.vector_load %arg8[%get3A_293] {strides = array<i32>} : memref<128xi32, #tpu.memory_space<vmem>>, vector<16xi32>,
    %get3A_295 = vector.shape_cast %get3A_294 : vector<16xi32> to vector<16xi32>
    %add3A_296 = arith.constant 32000 : i32
    %add3A_297 = vector.broadcast %add3A_296 : i32 to vector<16xi32>
    %add3A_298 = arith.addi %add3A_297, %get3A_295 : vector<16xi32>
    %shift_right_arithmetic3A_299 = arith.constant 7 : i32
    %shift_right_arithmetic3A_300 = vector.broadcast %shift_right_arithmetic3A_299 : i32 to vector<16xi32>
    %shift_right_arithmetic3A_301 = arith.shrsi %add3A_298, %shift_right_arithmetic3A_300 : vector<16xi32>
    %mul3A_302 = arith.constant 1024 : i32
    %mul3A_303 = vector.broadcast %mul3A_302 : i32 to vector<16xi32>
    %mul3A_304 = arith.muli %shift_right_arithmetic3A_301, %mul3A_303 : vector<16xi32>
    %add3A_305 = arith.addi %add3A_274, %mul3A_304 : vector<16xi32>
    %and3A_306 = arith.constant 127 : i32
    %and3A_307 = vector.broadcast %and3A_306 : i32 to vector<16xi32>
    %and3A_308 = arith.andi %add3A_298, %and3A_307 : vector<16xi32>
    %add3A_309 = arith.addi %add3A_305, %and3A_308 : vector<16xi32>
    %swap3A_310 = arith.constant 64 : index
    %swap3A_311 = tpu.vector_load %arg11[%swap3A_310] {strides = array<i32>} : memref<128xi32, #tpu.memory_space<vmem>>, vector<16xi32>,
    %swap3A_312 = vector.shape_cast %swap3A_311 : vector<16xi32> to vector<16xi32>
    %swap3A_313 = vector.shape_cast %add3A_309 : vector<16xi32> to vector<16xi32>
    tpu.vector_store %arg11[%swap3A_310], %swap3A_313 {strides = array<i32>} : memref<128xi32, #tpu.memory_space<vmem>>, vector<16xi32>,
    %add3A_314 = arith.constant 80 : i32
    %add3A_315 = vector.broadcast %add3A_314 : i32 to vector<16xi32>
    %add3A_316 = arith.addi %add3A_315, %iota3A : vector<16xi32>
    %mul3A_317 = arith.constant 4 : i32
    %mul3A_318 = vector.broadcast %mul3A_317 : i32 to vector<16xi32>
    %mul3A_319 = arith.muli %mul3A_318, %add3A_316 : vector<16xi32>
    %add3A_320 = vector.broadcast %add3A_15 : i32 to vector<16xi32>
    %add3A_321 = arith.addi %add3A_320, %mul3A_319 : vector<16xi32>
    %shift_right_arithmetic3A_322 = arith.constant 3 : i32
    %shift_right_arithmetic3A_323 = vector.broadcast %shift_right_arithmetic3A_322 : i32 to vector<16xi32>
    %shift_right_arithmetic3A_324 = arith.shrsi %add3A_321, %shift_right_arithmetic3A_323 : vector<16xi32>
    %mul3A_325 = arith.constant 264192 : i32
    %mul3A_326 = vector.broadcast %mul3A_325 : i32 to vector<16xi32>
    %mul3A_327 = arith.muli %shift_right_arithmetic3A_324, %mul3A_326 : vector<16xi32>
    %and3A_328 = arith.constant 7 : i32
    %and3A_329 = vector.broadcast %and3A_328 : i32 to vector<16xi32>
    %and3A_330 = arith.andi %add3A_321, %and3A_329 : vector<16xi32>
    %mul3A_331 = arith.constant 128 : i32
    %mul3A_332 = vector.broadcast %mul3A_331 : i32 to vector<16xi32>
    %mul3A_333 = arith.muli %and3A_330, %mul3A_332 : vector<16xi32>
    %add3A_334 = arith.addi %mul3A_327, %mul3A_333 : vector<16xi32>
    %get3A_335 = arith.constant 80 : index
    %get3A_336 = tpu.vector_load %arg7[%get3A_335] {strides = array<i32>} : memref<128xi32, #tpu.memory_space<vmem>>, vector<16xi32>,
    %get3A_337 = vector.shape_cast %get3A_336 : vector<16xi32> to vector<16xi32>
    %shift_right_arithmetic3A_338 = arith.constant 7 : i32
    %shift_right_arithmetic3A_339 = vector.broadcast %shift_right_arithmetic3A_338 : i32 to vector<16xi32>
    %shift_right_arithmetic3A_340 = arith.shrsi %get3A_337, %shift_right_arithmetic3A_339 : vector<16xi32>
    %mul3A_341 = arith.constant 1024 : i32
    %mul3A_342 = vector.broadcast %mul3A_341 : i32 to vector<16xi32>
    %mul3A_343 = arith.muli %shift_right_arithmetic3A_340, %mul3A_342 : vector<16xi32>
    %add3A_344 = arith.addi %add3A_334, %mul3A_343 : vector<16xi32>
    %and3A_345 = arith.constant 127 : i32
    %and3A_346 = vector.broadcast %and3A_345 : i32 to vector<16xi32>
    %and3A_347 = arith.andi %get3A_337, %and3A_346 : vector<16xi32>
    %add3A_348 = arith.addi %add3A_344, %and3A_347 : vector<16xi32>
    %swap3A_349 = arith.constant 80 : index
    %swap3A_350 = tpu.vector_load %arg10[%swap3A_349] {strides = array<i32>} : memref<128xi32, #tpu.memory_space<vmem>>, vector<16xi32>,
    %swap3A_351 = vector.shape_cast %swap3A_350 : vector<16xi32> to vector<16xi32>
    %swap3A_352 = vector.shape_cast %add3A_348 : vector<16xi32> to vector<16xi32>
    tpu.vector_store %arg10[%swap3A_349], %swap3A_352 {strides = array<i32>} : memref<128xi32, #tpu.memory_space<vmem>>, vector<16xi32>,
    %get3A_353 = arith.constant 80 : index
    %get3A_354 = tpu.vector_load %arg8[%get3A_353] {strides = array<i32>} : memref<128xi32, #tpu.memory_space<vmem>>, vector<16xi32>,
    %get3A_355 = vector.shape_cast %get3A_354 : vector<16xi32> to vector<16xi32>
    %add3A_356 = arith.constant 32000 : i32
    %add3A_357 = vector.broadcast %add3A_356 : i32 to vector<16xi32>
    %add3A_358 = arith.addi %add3A_357, %get3A_355 : vector<16xi32>
    %shift_right_arithmetic3A_359 = arith.constant 7 : i32
    %shift_right_arithmetic3A_360 = vector.broadcast %shift_right_arithmetic3A_359 : i32 to vector<16xi32>
    %shift_right_arithmetic3A_361 = arith.shrsi %add3A_358, %shift_right_arithmetic3A_360 : vector<16xi32>
    %mul3A_362 = arith.constant 1024 : i32
    %mul3A_363 = vector.broadcast %mul3A_362 : i32 to vector<16xi32>
    %mul3A_364 = arith.muli %shift_right_arithmetic3A_361, %mul3A_363 : vector<16xi32>
    %add3A_365 = arith.addi %add3A_334, %mul3A_364 : vector<16xi32>
    %and3A_366 = arith.constant 127 : i32
    %and3A_367 = vector.broadcast %and3A_366 : i32 to vector<16xi32>
    %and3A_368 = arith.andi %add3A_358, %and3A_367 : vector<16xi32>
    %add3A_369 = arith.addi %add3A_365, %and3A_368 : vector<16xi32>
    %swap3A_370 = arith.constant 80 : index
    %swap3A_371 = tpu.vector_load %arg11[%swap3A_370] {strides = array<i32>} : memref<128xi32, #tpu.memory_space<vmem>>, vector<16xi32>,
    %swap3A_372 = vector.shape_cast %swap3A_371 : vector<16xi32> to vector<16xi32>
    %swap3A_373 = vector.shape_cast %add3A_369 : vector<16xi32> to vector<16xi32>
    tpu.vector_store %arg11[%swap3A_370], %swap3A_373 {strides = array<i32>} : memref<128xi32, #tpu.memory_space<vmem>>, vector<16xi32>,
    %add3A_374 = arith.constant 96 : i32
    %add3A_375 = vector.broadcast %add3A_374 : i32 to vector<16xi32>
    %add3A_376 = arith.addi %add3A_375, %iota3A : vector<16xi32>
    %mul3A_377 = arith.constant 4 : i32
    %mul3A_378 = vector.broadcast %mul3A_377 : i32 to vector<16xi32>
    %mul3A_379 = arith.muli %mul3A_378, %add3A_376 : vector<16xi32>
    %add3A_380 = vector.broadcast %add3A_15 : i32 to vector<16xi32>
    %add3A_381 = arith.addi %add3A_380, %mul3A_379 : vector<16xi32>
    %shift_right_arithmetic3A_382 = arith.constant 3 : i32
    %shift_right_arithmetic3A_383 = vector.broadcast %shift_right_arithmetic3A_382 : i32 to vector<16xi32>
    %shift_right_arithmetic3A_384 = arith.shrsi %add3A_381, %shift_right_arithmetic3A_383 : vector<16xi32>
    %mul3A_385 = arith.constant 264192 : i32
    %mul3A_386 = vector.broadcast %mul3A_385 : i32 to vector<16xi32>
    %mul3A_387 = arith.muli %shift_right_arithmetic3A_384, %mul3A_386 : vector<16xi32>
    %and3A_388 = arith.constant 7 : i32
    %and3A_389 = vector.broadcast %and3A_388 : i32 to vector<16xi32>
    %and3A_390 = arith.andi %add3A_381, %and3A_389 : vector<16xi32>
    %mul3A_391 = arith.constant 128 : i32
    %mul3A_392 = vector.broadcast %mul3A_391 : i32 to vector<16xi32>
    %mul3A_393 = arith.muli %and3A_390, %mul3A_392 : vector<16xi32>
    %add3A_394 = arith.addi %mul3A_387, %mul3A_393 : vector<16xi32>
    %get3A_395 = arith.constant 96 : index
    %get3A_396 = tpu.vector_load %arg7[%get3A_395] {strides = array<i32>} : memref<128xi32, #tpu.memory_space<vmem>>, vector<16xi32>,
    %get3A_397 = vector.shape_cast %get3A_396 : vector<16xi32> to vector<16xi32>
    %shift_right_arithmetic3A_398 = arith.constant 7 : i32
    %shift_right_arithmetic3A_399 = vector.broadcast %shift_right_arithmetic3A_398 : i32 to vector<16xi32>
    %shift_right_arithmetic3A_400 = arith.shrsi %get3A_397, %shift_right_arithmetic3A_399 : vector<16xi32>
    %mul3A_401 = arith.constant 1024 : i32
    %mul3A_402 = vector.broadcast %mul3A_401 : i32 to vector<16xi32>
    %mul3A_403 = arith.muli %shift_right_arithmetic3A_400, %mul3A_402 : vector<16xi32>
    %add3A_404 = arith.addi %add3A_394, %mul3A_403 : vector<16xi32>
    %and3A_405 = arith.constant 127 : i32
    %and3A_406 = vector.broadcast %and3A_405 : i32 to vector<16xi32>
    %and3A_407 = arith.andi %get3A_397, %and3A_406 : vector<16xi32>
    %add3A_408 = arith.addi %add3A_404, %and3A_407 : vector<16xi32>
    %swap3A_409 = arith.constant 96 : index
    %swap3A_410 = tpu.vector_load %arg10[%swap3A_409] {strides = array<i32>} : memref<128xi32, #tpu.memory_space<vmem>>, vector<16xi32>,
    %swap3A_411 = vector.shape_cast %swap3A_410 : vector<16xi32> to vector<16xi32>
    %swap3A_412 = vector.shape_cast %add3A_408 : vector<16xi32> to vector<16xi32>
    tpu.vector_store %arg10[%swap3A_409], %swap3A_412 {strides = array<i32>} : memref<128xi32, #tpu.memory_space<vmem>>, vector<16xi32>,
    %get3A_413 = arith.constant 96 : index
    %get3A_414 = tpu.vector_load %arg8[%get3A_413] {strides = array<i32>} : memref<128xi32, #tpu.memory_space<vmem>>, vector<16xi32>,
    %get3A_415 = vector.shape_cast %get3A_414 : vector<16xi32> to vector<16xi32>
    %add3A_416 = arith.constant 32000 : i32
    %add3A_417 = vector.broadcast %add3A_416 : i32 to vector<16xi32>
    %add3A_418 = arith.addi %add3A_417, %get3A_415 : vector<16xi32>
    %shift_right_arithmetic3A_419 = arith.constant 7 : i32
    %shift_right_arithmetic3A_420 = vector.broadcast %shift_right_arithmetic3A_419 : i32 to vector<16xi32>
    %shift_right_arithmetic3A_421 = arith.shrsi %add3A_418, %shift_right_arithmetic3A_420 : vector<16xi32>
    %mul3A_422 = arith.constant 1024 : i32
    %mul3A_423 = vector.broadcast %mul3A_422 : i32 to vector<16xi32>
    %mul3A_424 = arith.muli %shift_right_arithmetic3A_421, %mul3A_423 : vector<16xi32>
    %add3A_425 = arith.addi %add3A_394, %mul3A_424 : vector<16xi32>
    %and3A_426 = arith.constant 127 : i32
    %and3A_427 = vector.broadcast %and3A_426 : i32 to vector<16xi32>
    %and3A_428 = arith.andi %add3A_418, %and3A_427 : vector<16xi32>
    %add3A_429 = arith.addi %add3A_425, %and3A_428 : vector<16xi32>
    %swap3A_430 = arith.constant 96 : index
    %swap3A_431 = tpu.vector_load %arg11[%swap3A_430] {strides = array<i32>} : memref<128xi32, #tpu.memory_space<vmem>>, vector<16xi32>,
    %swap3A_432 = vector.shape_cast %swap3A_431 : vector<16xi32> to vector<16xi32>
    %swap3A_433 = vector.shape_cast %add3A_429 : vector<16xi32> to vector<16xi32>
    tpu.vector_store %arg11[%swap3A_430], %swap3A_433 {strides = array<i32>} : memref<128xi32, #tpu.memory_space<vmem>>, vector<16xi32>,
    %add3A_434 = arith.constant 112 : i32
    %add3A_435 = vector.broadcast %add3A_434 : i32 to vector<16xi32>
    %add3A_436 = arith.addi %add3A_435, %iota3A : vector<16xi32>
    %mul3A_437 = arith.constant 4 : i32
    %mul3A_438 = vector.broadcast %mul3A_437 : i32 to vector<16xi32>
    %mul3A_439 = arith.muli %mul3A_438, %add3A_436 : vector<16xi32>
    %add3A_440 = vector.broadcast %add3A_15 : i32 to vector<16xi32>
    %add3A_441 = arith.addi %add3A_440, %mul3A_439 : vector<16xi32>
    %shift_right_arithmetic3A_442 = arith.constant 3 : i32
    %shift_right_arithmetic3A_443 = vector.broadcast %shift_right_arithmetic3A_442 : i32 to vector<16xi32>
    %shift_right_arithmetic3A_444 = arith.shrsi %add3A_441, %shift_right_arithmetic3A_443 : vector<16xi32>
    %mul3A_445 = arith.constant 264192 : i32
    %mul3A_446 = vector.broadcast %mul3A_445 : i32 to vector<16xi32>
    %mul3A_447 = arith.muli %shift_right_arithmetic3A_444, %mul3A_446 : vector<16xi32>
    %and3A_448 = arith.constant 7 : i32
    %and3A_449 = vector.broadcast %and3A_448 : i32 to vector<16xi32>
    %and3A_450 = arith.andi %add3A_441, %and3A_449 : vector<16xi32>
    %mul3A_451 = arith.constant 128 : i32
    %mul3A_452 = vector.broadcast %mul3A_451 : i32 to vector<16xi32>
    %mul3A_453 = arith.muli %and3A_450, %mul3A_452 : vector<16xi32>
    %add3A_454 = arith.addi %mul3A_447, %mul3A_453 : vector<16xi32>
    %get3A_455 = arith.constant 112 : index
    %get3A_456 = tpu.vector_load %arg7[%get3A_455] {strides = array<i32>} : memref<128xi32, #tpu.memory_space<vmem>>, vector<16xi32>,
    %get3A_457 = vector.shape_cast %get3A_456 : vector<16xi32> to vector<16xi32>
    %shift_right_arithmetic3A_458 = arith.constant 7 : i32
    %shift_right_arithmetic3A_459 = vector.broadcast %shift_right_arithmetic3A_458 : i32 to vector<16xi32>
    %shift_right_arithmetic3A_460 = arith.shrsi %get3A_457, %shift_right_arithmetic3A_459 : vector<16xi32>
    %mul3A_461 = arith.constant 1024 : i32
    %mul3A_462 = vector.broadcast %mul3A_461 : i32 to vector<16xi32>
    %mul3A_463 = arith.muli %shift_right_arithmetic3A_460, %mul3A_462 : vector<16xi32>
    %add3A_464 = arith.addi %add3A_454, %mul3A_463 : vector<16xi32>
    %and3A_465 = arith.constant 127 : i32
    %and3A_466 = vector.broadcast %and3A_465 : i32 to vector<16xi32>
    %and3A_467 = arith.andi %get3A_457, %and3A_466 : vector<16xi32>
    %add3A_468 = arith.addi %add3A_464, %and3A_467 : vector<16xi32>
    %swap3A_469 = arith.constant 112 : index
    %swap3A_470 = tpu.vector_load %arg10[%swap3A_469] {strides = array<i32>} : memref<128xi32, #tpu.memory_space<vmem>>, vector<16xi32>,
    %swap3A_471 = vector.shape_cast %swap3A_470 : vector<16xi32> to vector<16xi32>
    %swap3A_472 = vector.shape_cast %add3A_468 : vector<16xi32> to vector<16xi32>
    tpu.vector_store %arg10[%swap3A_469], %swap3A_472 {strides = array<i32>} : memref<128xi32, #tpu.memory_space<vmem>>, vector<16xi32>,
    %get3A_473 = arith.constant 112 : index
    %get3A_474 = tpu.vector_load %arg8[%get3A_473] {strides = array<i32>} : memref<128xi32, #tpu.memory_space<vmem>>, vector<16xi32>,
    %get3A_475 = vector.shape_cast %get3A_474 : vector<16xi32> to vector<16xi32>
    %add3A_476 = arith.constant 32000 : i32
    %add3A_477 = vector.broadcast %add3A_476 : i32 to vector<16xi32>
    %add3A_478 = arith.addi %add3A_477, %get3A_475 : vector<16xi32>
    %shift_right_arithmetic3A_479 = arith.constant 7 : i32
    %shift_right_arithmetic3A_480 = vector.broadcast %shift_right_arithmetic3A_479 : i32 to vector<16xi32>
    %shift_right_arithmetic3A_481 = arith.shrsi %add3A_478, %shift_right_arithmetic3A_480 : vector<16xi32>
    %mul3A_482 = arith.constant 1024 : i32
    %mul3A_483 = vector.broadcast %mul3A_482 : i32 to vector<16xi32>
    %mul3A_484 = arith.muli %shift_right_arithmetic3A_481, %mul3A_483 : vector<16xi32>
    %add3A_485 = arith.addi %add3A_454, %mul3A_484 : vector<16xi32>
    %and3A_486 = arith.constant 127 : i32
    %and3A_487 = vector.broadcast %and3A_486 : i32 to vector<16xi32>
    %and3A_488 = arith.andi %add3A_478, %and3A_487 : vector<16xi32>
    %add3A_489 = arith.addi %add3A_485, %and3A_488 : vector<16xi32>
    %swap3A_490 = arith.constant 112 : index
    %swap3A_491 = tpu.vector_load %arg11[%swap3A_490] {strides = array<i32>} : memref<128xi32, #tpu.memory_space<vmem>>, vector<16xi32>,
    %swap3A_492 = vector.shape_cast %swap3A_491 : vector<16xi32> to vector<16xi32>
    %swap3A_493 = vector.shape_cast %add3A_489 : vector<16xi32> to vector<16xi32>
    tpu.vector_store %arg11[%swap3A_490], %swap3A_493 {strides = array<i32>} : memref<128xi32, #tpu.memory_space<vmem>>, vector<16xi32>,
    %dma_start3A_494 = arith.constant 0 : i32
    %dma_start3A_495 = tpu.memref_slice %arg2[%dma_start3A_494] : memref<135266304xf32, #tpu.memory_space<hbm>> -> memref<135266304xf32, #tpu.memory_space<hbm>>
    tpu.enqueue_indirect_dma source(%dma_start3A_495 : memref<135266304xf32, #tpu.memory_space<hbm>>) target(%arg12 : memref<128xf32, #tpu.memory_space<vmem>>) offsets(%arg10 : memref<128xi32, #tpu.memory_space<vmem>>) semaphore(%arg15 : memref<!tpu.dma_semaphore, #tpu.memory_space<semaphore_mem>>)
    %dma_start3A_496 = arith.constant 0 : i32
    %dma_start3A_497 = tpu.memref_slice %arg2[%dma_start3A_496] : memref<135266304xf32, #tpu.memory_space<hbm>> -> memref<135266304xf32, #tpu.memory_space<hbm>>
    tpu.enqueue_indirect_dma source(%dma_start3A_497 : memref<135266304xf32, #tpu.memory_space<hbm>>) target(%arg13 : memref<128xf32, #tpu.memory_space<vmem>>) offsets(%arg11 : memref<128xi32, #tpu.memory_space<vmem>>) semaphore(%arg15 : memref<!tpu.dma_semaphore, #tpu.memory_space<semaphore_mem>>)
    %dma_wait3A_498 = tpu.memref_slice %arg5[%mul3A_2] : memref<4096xi32, #tpu.memory_space<hbm>> -> memref<128xi32, #tpu.memory_space<hbm>>
    %dma_wait3A_499 = tpu.memref_slice %arg5[%mul3A_2] : memref<4096xi32, #tpu.memory_space<hbm>> -> memref<128xi32, #tpu.memory_space<hbm>>
    tpu.wait_dma2 semaphore(%arg15 : memref<!tpu.dma_semaphore, #tpu.memory_space<semaphore_mem>>) src(%dma_wait3A_499 : memref<128xi32, #tpu.memory_space<hbm>>) dst(%arg9 : memref<128xi32, #tpu.memory_space<vmem>>)
    %dma_wait3A_500 = arith.constant 0 : i32
    %dma_wait3A_501 = tpu.memref_slice %arg2[%dma_wait3A_500] : memref<135266304xf32, #tpu.memory_space<hbm>> -> memref<135266304xf32, #tpu.memory_space<hbm>>
    tpu.wait_indirect_dma semaphore(%arg15 : memref<!tpu.dma_semaphore, #tpu.memory_space<semaphore_mem>>) src(%dma_wait3A_501 : memref<135266304xf32, #tpu.memory_space<hbm>>) dst(%arg12 : memref<128xf32, #tpu.memory_space<vmem>>)
    %dma_wait3A_502 = arith.constant 0 : i32
    %dma_wait3A_503 = tpu.memref_slice %arg2[%dma_wait3A_502] : memref<135266304xf32, #tpu.memory_space<hbm>> -> memref<135266304xf32, #tpu.memory_space<hbm>>
    tpu.wait_indirect_dma semaphore(%arg15 : memref<!tpu.dma_semaphore, #tpu.memory_space<semaphore_mem>>) src(%dma_wait3A_503 : memref<135266304xf32, #tpu.memory_space<hbm>>) dst(%arg13 : memref<128xf32, #tpu.memory_space<vmem>>)
    %broadcast_in_dim3A = arith.constant 0.000000e+00 : f32
    %broadcast_in_dim3A_504 = vector.broadcast %broadcast_in_dim3A : f32 to vector<16xf32>
    %get3A_505 = arith.constant 0 : index
    %get3A_506 = tpu.vector_load %arg7[%get3A_505] {strides = array<i32>} : memref<128xi32, #tpu.memory_space<vmem>>, vector<16xi32>,
    %get3A_507 = vector.shape_cast %get3A_506 : vector<16xi32> to vector<16xi32>
    %get3A_508 = arith.constant 0 : index
    %get3A_509 = tpu.vector_load %arg8[%get3A_508] {strides = array<i32>} : memref<128xi32, #tpu.memory_space<vmem>>, vector<16xi32>,
    %get3A_510 = vector.shape_cast %get3A_509 : vector<16xi32> to vector<16xi32>
    %eq3A = arith.constant 0 : i32
    %eq3A_511 = vector.broadcast %eq3A : i32 to vector<16xi32>
    %eq3A_512 = arith.cmpi eq, %get3A_510, %eq3A_511 : vector<16xi32>
    %get3A_513 = arith.constant 0 : index
    %get3A_514 = tpu.vector_load %arg13[%get3A_513] {strides = array<i32>} : memref<128xf32, #tpu.memory_space<vmem>>, vector<16xf32>,
    %get3A_515 = vector.shape_cast %get3A_514 : vector<16xf32> to vector<16xf32>
    %jit3A = arith.constant 0.000000e+00 : f32
    %broadcast_in_dim3A_516 = vector.broadcast %jit3A : f32 to vector<16xf32>
    %select_n3A = arith.select %eq3A_512, %broadcast_in_dim3A_516, %get3A_515 : vector<16xi1>, vector<16xf32>
    %add3A_517 = arith.constant 9.99999968E-21 : f32
    %add3A_518 = vector.broadcast %add3A_517 : f32 to vector<16xf32>
    %add3A_519 = arith.addf %select_n3A, %add3A_518 : vector<16xf32>
    %ne3A = arith.constant 0 : i32
    %ne3A_520 = vector.broadcast %ne3A : i32 to vector<16xi32>
    %ne3A_521 = arith.cmpi ne, %get3A_507, %ne3A_520 : vector<16xi32>
    %or3A = arith.ori %eq3A_512, %ne3A_521 : vector<16xi1>
    %get3A_522 = arith.constant 0 : index
    %get3A_523 = tpu.vector_load %arg12[%get3A_522] {strides = array<i32>} : memref<128xf32, #tpu.memory_space<vmem>>, vector<16xf32>,
    %get3A_524 = vector.shape_cast %get3A_523 : vector<16xf32> to vector<16xf32>
    %add3A_525 = arith.addf %add3A_519, %get3A_524 : vector<16xf32>
    %select_n3A_526 = arith.select %or3A, %add3A_525, %add3A_519 : vector<16xi1>, vector<16xf32>
    %get3A_527 = arith.constant 0 : index
    %get3A_528 = tpu.vector_load %arg9[%get3A_527] {strides = array<i32>} : memref<128xi32, #tpu.memory_space<vmem>>, vector<16xi32>,
    %get3A_529 = vector.shape_cast %get3A_528 : vector<16xi32> to vector<16xi32>
    %eq3A_530 = arith.constant 1 : i32
    %eq3A_531 = vector.broadcast %eq3A_530 : i32 to vector<16xi32>
    %eq3A_532 = arith.cmpi eq, %get3A_529, %eq3A_531 : vector<16xi32>
    %jit3A_533 = arith.constant 1.000000e+00 : f32
    %broadcast_in_dim3A_534 = vector.broadcast %jit3A_533 : f32 to vector<16xf32>
    %select_n3A_535 = arith.select %eq3A_532, %broadcast_in_dim3A_534, %select_n3A_526 : vector<16xi1>, vector<16xf32>
    %bitcast_convert_type3A = tpu.bitcast %select_n3A_535 : vector<16xf32> -> vector<16xi32>
    %shift_right_arithmetic3A_536 = arith.constant 23 : i32
    %shift_right_arithmetic3A_537 = vector.broadcast %shift_right_arithmetic3A_536 : i32 to vector<16xi32>
    %shift_right_arithmetic3A_538 = arith.shrsi %bitcast_convert_type3A, %shift_right_arithmetic3A_537 : vector<16xi32>
    %sub3A = arith.constant 127 : i32
    %sub3A_539 = vector.broadcast %sub3A : i32 to vector<16xi32>
    %sub3A_540 = arith.subi %shift_right_arithmetic3A_538, %sub3A_539 : vector<16xi32>
    %and3A_541 = arith.constant 8388607 : i32
    %and3A_542 = vector.broadcast %and3A_541 : i32 to vector<16xi32>
    %and3A_543 = arith.andi %bitcast_convert_type3A, %and3A_542 : vector<16xi32>
    %or3A_544 = arith.constant 1065353216 : i32
    %or3A_545 = vector.broadcast %or3A_544 : i32 to vector<16xi32>
    %or3A_546 = arith.ori %and3A_543, %or3A_545 : vector<16xi32>
    %bitcast_convert_type3A_547 = tpu.bitcast %or3A_546 : vector<16xi32> -> vector<16xf32>
    %ge3A = arith.constant 1.41421354 : f32
    %ge3A_548 = vector.broadcast %ge3A : f32 to vector<16xf32>
    %ge3A_549 = arith.cmpf oge, %bitcast_convert_type3A_547, %ge3A_548 : vector<16xf32>
    %mul3A_550 = arith.constant 5.000000e-01 : f32
    %mul3A_551 = vector.broadcast %mul3A_550 : f32 to vector<16xf32>
    %mul3A_552 = arith.mulf %bitcast_convert_type3A_547, %mul3A_551 : vector<16xf32>
    %select_n3A_553 = arith.select %ge3A_549, %mul3A_552, %bitcast_convert_type3A_547 : vector<16xi1>, vector<16xf32>
    %add3A_554 = arith.constant 1 : i32
    %add3A_555 = vector.broadcast %add3A_554 : i32 to vector<16xi32>
    %add3A_556 = arith.addi %sub3A_540, %add3A_555 : vector<16xi32>
    %select_n3A_557 = arith.select %ge3A_549, %add3A_556, %sub3A_540 : vector<16xi1>, vector<16xi32>
    %sub3A_558 = arith.constant 1.000000e+00 : f32
    %sub3A_559 = vector.broadcast %sub3A_558 : f32 to vector<16xf32>
    %sub3A_560 = arith.subf %select_n3A_553, %sub3A_559 : vector<16xf32>
    %add3A_561 = arith.constant 1.000000e+00 : f32
    %add3A_562 = vector.broadcast %add3A_561 : f32 to vector<16xf32>
    %add3A_563 = arith.addf %select_n3A_553, %add3A_562 : vector<16xf32>
    %div3A = arith.divf %sub3A_560, %add3A_563 : vector<16xf32>
    %mul3A_564 = arith.mulf %div3A, %div3A : vector<16xf32>
    %mul3A_565 = arith.constant 0.142857149 : f32
    %mul3A_566 = vector.broadcast %mul3A_565 : f32 to vector<16xf32>
    %mul3A_567 = arith.mulf %mul3A_564, %mul3A_566 : vector<16xf32>
    %add3A_568 = arith.constant 2.000000e-01 : f32
    %add3A_569 = vector.broadcast %add3A_568 : f32 to vector<16xf32>
    %add3A_570 = arith.addf %add3A_569, %mul3A_567 : vector<16xf32>
    %mul3A_571 = arith.mulf %mul3A_564, %add3A_570 : vector<16xf32>
    %add3A_572 = arith.constant 0.333333343 : f32
    %add3A_573 = vector.broadcast %add3A_572 : f32 to vector<16xf32>
    %add3A_574 = arith.addf %add3A_573, %mul3A_571 : vector<16xf32>
    %mul3A_575 = arith.mulf %mul3A_564, %add3A_574 : vector<16xf32>
    %add3A_576 = arith.constant 1.000000e+00 : f32
    %add3A_577 = vector.broadcast %add3A_576 : f32 to vector<16xf32>
    %add3A_578 = arith.addf %add3A_577, %mul3A_575 : vector<16xf32>
    %mul3A_579 = arith.mulf %div3A, %add3A_578 : vector<16xf32>
    %convert_element_type3A = arith.sitofp %select_n3A_557 : vector<16xi32> to vector<16xf32>
    %mul3A_580 = arith.constant 2.885390e+00 : f32
    %mul3A_581 = vector.broadcast %mul3A_580 : f32 to vector<16xf32>
    %mul3A_582 = arith.mulf %mul3A_579, %mul3A_581 : vector<16xf32>
    %add3A_583 = arith.addf %convert_element_type3A, %mul3A_582 : vector<16xf32>
    %add3A_584 = arith.addf %broadcast_in_dim3A_504, %add3A_583 : vector<16xf32>
    %get3A_585 = arith.constant 16 : index
    %get3A_586 = tpu.vector_load %arg7[%get3A_585] {strides = array<i32>} : memref<128xi32, #tpu.memory_space<vmem>>, vector<16xi32>,
    %get3A_587 = vector.shape_cast %get3A_586 : vector<16xi32> to vector<16xi32>
    %get3A_588 = arith.constant 16 : index
    %get3A_589 = tpu.vector_load %arg8[%get3A_588] {strides = array<i32>} : memref<128xi32, #tpu.memory_space<vmem>>, vector<16xi32>,
    %get3A_590 = vector.shape_cast %get3A_589 : vector<16xi32> to vector<16xi32>
    %eq3A_591 = arith.constant 0 : i32
    %eq3A_592 = vector.broadcast %eq3A_591 : i32 to vector<16xi32>
    %eq3A_593 = arith.cmpi eq, %get3A_590, %eq3A_592 : vector<16xi32>
    %get3A_594 = arith.constant 16 : index
    %get3A_595 = tpu.vector_load %arg13[%get3A_594] {strides = array<i32>} : memref<128xf32, #tpu.memory_space<vmem>>, vector<16xf32>,
    %get3A_596 = vector.shape_cast %get3A_595 : vector<16xf32> to vector<16xf32>
    %jit3A_597 = arith.constant 0.000000e+00 : f32
    %broadcast_in_dim3A_598 = vector.broadcast %jit3A_597 : f32 to vector<16xf32>
    %select_n3A_599 = arith.select %eq3A_593, %broadcast_in_dim3A_598, %get3A_596 : vector<16xi1>, vector<16xf32>
    %add3A_600 = arith.constant 9.99999968E-21 : f32
    %add3A_601 = vector.broadcast %add3A_600 : f32 to vector<16xf32>
    %add3A_602 = arith.addf %select_n3A_599, %add3A_601 : vector<16xf32>
    %ne3A_603 = arith.constant 0 : i32
    %ne3A_604 = vector.broadcast %ne3A_603 : i32 to vector<16xi32>
    %ne3A_605 = arith.cmpi ne, %get3A_587, %ne3A_604 : vector<16xi32>
    %or3A_606 = arith.ori %eq3A_593, %ne3A_605 : vector<16xi1>
    %get3A_607 = arith.constant 16 : index
    %get3A_608 = tpu.vector_load %arg12[%get3A_607] {strides = array<i32>} : memref<128xf32, #tpu.memory_space<vmem>>, vector<16xf32>,
    %get3A_609 = vector.shape_cast %get3A_608 : vector<16xf32> to vector<16xf32>
    %add3A_610 = arith.addf %add3A_602, %get3A_609 : vector<16xf32>
    %select_n3A_611 = arith.select %or3A_606, %add3A_610, %add3A_602 : vector<16xi1>, vector<16xf32>
    %get3A_612 = arith.constant 16 : index
    %get3A_613 = tpu.vector_load %arg9[%get3A_612] {strides = array<i32>} : memref<128xi32, #tpu.memory_space<vmem>>, vector<16xi32>,
    %get3A_614 = vector.shape_cast %get3A_613 : vector<16xi32> to vector<16xi32>
    %eq3A_615 = arith.constant 1 : i32
    %eq3A_616 = vector.broadcast %eq3A_615 : i32 to vector<16xi32>
    %eq3A_617 = arith.cmpi eq, %get3A_614, %eq3A_616 : vector<16xi32>
    %jit3A_618 = arith.constant 1.000000e+00 : f32
    %broadcast_in_dim3A_619 = vector.broadcast %jit3A_618 : f32 to vector<16xf32>
    %select_n3A_620 = arith.select %eq3A_617, %broadcast_in_dim3A_619, %select_n3A_611 : vector<16xi1>, vector<16xf32>
    %bitcast_convert_type3A_621 = tpu.bitcast %select_n3A_620 : vector<16xf32> -> vector<16xi32>
    %shift_right_arithmetic3A_622 = arith.constant 23 : i32
    %shift_right_arithmetic3A_623 = vector.broadcast %shift_right_arithmetic3A_622 : i32 to vector<16xi32>
    %shift_right_arithmetic3A_624 = arith.shrsi %bitcast_convert_type3A_621, %shift_right_arithmetic3A_623 : vector<16xi32>
    %sub3A_625 = arith.constant 127 : i32
    %sub3A_626 = vector.broadcast %sub3A_625 : i32 to vector<16xi32>
    %sub3A_627 = arith.subi %shift_right_arithmetic3A_624, %sub3A_626 : vector<16xi32>
    %and3A_628 = arith.constant 8388607 : i32
    %and3A_629 = vector.broadcast %and3A_628 : i32 to vector<16xi32>
    %and3A_630 = arith.andi %bitcast_convert_type3A_621, %and3A_629 : vector<16xi32>
    %or3A_631 = arith.constant 1065353216 : i32
    %or3A_632 = vector.broadcast %or3A_631 : i32 to vector<16xi32>
    %or3A_633 = arith.ori %and3A_630, %or3A_632 : vector<16xi32>
    %bitcast_convert_type3A_634 = tpu.bitcast %or3A_633 : vector<16xi32> -> vector<16xf32>
    %ge3A_635 = arith.constant 1.41421354 : f32
    %ge3A_636 = vector.broadcast %ge3A_635 : f32 to vector<16xf32>
    %ge3A_637 = arith.cmpf oge, %bitcast_convert_type3A_634, %ge3A_636 : vector<16xf32>
    %mul3A_638 = arith.constant 5.000000e-01 : f32
    %mul3A_639 = vector.broadcast %mul3A_638 : f32 to vector<16xf32>
    %mul3A_640 = arith.mulf %bitcast_convert_type3A_634, %mul3A_639 : vector<16xf32>
    %select_n3A_641 = arith.select %ge3A_637, %mul3A_640, %bitcast_convert_type3A_634 : vector<16xi1>, vector<16xf32>
    %add3A_642 = arith.constant 1 : i32
    %add3A_643 = vector.broadcast %add3A_642 : i32 to vector<16xi32>
    %add3A_644 = arith.addi %sub3A_627, %add3A_643 : vector<16xi32>
    %select_n3A_645 = arith.select %ge3A_637, %add3A_644, %sub3A_627 : vector<16xi1>, vector<16xi32>
    %sub3A_646 = arith.constant 1.000000e+00 : f32
    %sub3A_647 = vector.broadcast %sub3A_646 : f32 to vector<16xf32>
    %sub3A_648 = arith.subf %select_n3A_641, %sub3A_647 : vector<16xf32>
    %add3A_649 = arith.constant 1.000000e+00 : f32
    %add3A_650 = vector.broadcast %add3A_649 : f32 to vector<16xf32>
    %add3A_651 = arith.addf %select_n3A_641, %add3A_650 : vector<16xf32>
    %div3A_652 = arith.divf %sub3A_648, %add3A_651 : vector<16xf32>
    %mul3A_653 = arith.mulf %div3A_652, %div3A_652 : vector<16xf32>
    %mul3A_654 = arith.constant 0.142857149 : f32
    %mul3A_655 = vector.broadcast %mul3A_654 : f32 to vector<16xf32>
    %mul3A_656 = arith.mulf %mul3A_653, %mul3A_655 : vector<16xf32>
    %add3A_657 = arith.constant 2.000000e-01 : f32
    %add3A_658 = vector.broadcast %add3A_657 : f32 to vector<16xf32>
    %add3A_659 = arith.addf %add3A_658, %mul3A_656 : vector<16xf32>
    %mul3A_660 = arith.mulf %mul3A_653, %add3A_659 : vector<16xf32>
    %add3A_661 = arith.constant 0.333333343 : f32
    %add3A_662 = vector.broadcast %add3A_661 : f32 to vector<16xf32>
    %add3A_663 = arith.addf %add3A_662, %mul3A_660 : vector<16xf32>
    %mul3A_664 = arith.mulf %mul3A_653, %add3A_663 : vector<16xf32>
    %add3A_665 = arith.constant 1.000000e+00 : f32
    %add3A_666 = vector.broadcast %add3A_665 : f32 to vector<16xf32>
    %add3A_667 = arith.addf %add3A_666, %mul3A_664 : vector<16xf32>
    %mul3A_668 = arith.mulf %div3A_652, %add3A_667 : vector<16xf32>
    %convert_element_type3A_669 = arith.sitofp %select_n3A_645 : vector<16xi32> to vector<16xf32>
    %mul3A_670 = arith.constant 2.885390e+00 : f32
    %mul3A_671 = vector.broadcast %mul3A_670 : f32 to vector<16xf32>
    %mul3A_672 = arith.mulf %mul3A_668, %mul3A_671 : vector<16xf32>
    %add3A_673 = arith.addf %convert_element_type3A_669, %mul3A_672 : vector<16xf32>
    %add3A_674 = arith.addf %add3A_584, %add3A_673 : vector<16xf32>
    %get3A_675 = arith.constant 32 : index
    %get3A_676 = tpu.vector_load %arg7[%get3A_675] {strides = array<i32>} : memref<128xi32, #tpu.memory_space<vmem>>, vector<16xi32>,
    %get3A_677 = vector.shape_cast %get3A_676 : vector<16xi32> to vector<16xi32>
    %get3A_678 = arith.constant 32 : index
    %get3A_679 = tpu.vector_load %arg8[%get3A_678] {strides = array<i32>} : memref<128xi32, #tpu.memory_space<vmem>>, vector<16xi32>,
    %get3A_680 = vector.shape_cast %get3A_679 : vector<16xi32> to vector<16xi32>
    %eq3A_681 = arith.constant 0 : i32
    %eq3A_682 = vector.broadcast %eq3A_681 : i32 to vector<16xi32>
    %eq3A_683 = arith.cmpi eq, %get3A_680, %eq3A_682 : vector<16xi32>
    %get3A_684 = arith.constant 32 : index
    %get3A_685 = tpu.vector_load %arg13[%get3A_684] {strides = array<i32>} : memref<128xf32, #tpu.memory_space<vmem>>, vector<16xf32>,
    %get3A_686 = vector.shape_cast %get3A_685 : vector<16xf32> to vector<16xf32>
    %jit3A_687 = arith.constant 0.000000e+00 : f32
    %broadcast_in_dim3A_688 = vector.broadcast %jit3A_687 : f32 to vector<16xf32>
    %select_n3A_689 = arith.select %eq3A_683, %broadcast_in_dim3A_688, %get3A_686 : vector<16xi1>, vector<16xf32>
    %add3A_690 = arith.constant 9.99999968E-21 : f32
    %add3A_691 = vector.broadcast %add3A_690 : f32 to vector<16xf32>
    %add3A_692 = arith.addf %select_n3A_689, %add3A_691 : vector<16xf32>
    %ne3A_693 = arith.constant 0 : i32
    %ne3A_694 = vector.broadcast %ne3A_693 : i32 to vector<16xi32>
    %ne3A_695 = arith.cmpi ne, %get3A_677, %ne3A_694 : vector<16xi32>
    %or3A_696 = arith.ori %eq3A_683, %ne3A_695 : vector<16xi1>
    %get3A_697 = arith.constant 32 : index
    %get3A_698 = tpu.vector_load %arg12[%get3A_697] {strides = array<i32>} : memref<128xf32, #tpu.memory_space<vmem>>, vector<16xf32>,
    %get3A_699 = vector.shape_cast %get3A_698 : vector<16xf32> to vector<16xf32>
    %add3A_700 = arith.addf %add3A_692, %get3A_699 : vector<16xf32>
    %select_n3A_701 = arith.select %or3A_696, %add3A_700, %add3A_692 : vector<16xi1>, vector<16xf32>
    %get3A_702 = arith.constant 32 : index
    %get3A_703 = tpu.vector_load %arg9[%get3A_702] {strides = array<i32>} : memref<128xi32, #tpu.memory_space<vmem>>, vector<16xi32>,
    %get3A_704 = vector.shape_cast %get3A_703 : vector<16xi32> to vector<16xi32>
    %eq3A_705 = arith.constant 1 : i32
    %eq3A_706 = vector.broadcast %eq3A_705 : i32 to vector<16xi32>
    %eq3A_707 = arith.cmpi eq, %get3A_704, %eq3A_706 : vector<16xi32>
    %jit3A_708 = arith.constant 1.000000e+00 : f32
    %broadcast_in_dim3A_709 = vector.broadcast %jit3A_708 : f32 to vector<16xf32>
    %select_n3A_710 = arith.select %eq3A_707, %broadcast_in_dim3A_709, %select_n3A_701 : vector<16xi1>, vector<16xf32>
    %bitcast_convert_type3A_711 = tpu.bitcast %select_n3A_710 : vector<16xf32> -> vector<16xi32>
    %shift_right_arithmetic3A_712 = arith.constant 23 : i32
    %shift_right_arithmetic3A_713 = vector.broadcast %shift_right_arithmetic3A_712 : i32 to vector<16xi32>
    %shift_right_arithmetic3A_714 = arith.shrsi %bitcast_convert_type3A_711, %shift_right_arithmetic3A_713 : vector<16xi32>
    %sub3A_715 = arith.constant 127 : i32
    %sub3A_716 = vector.broadcast %sub3A_715 : i32 to vector<16xi32>
    %sub3A_717 = arith.subi %shift_right_arithmetic3A_714, %sub3A_716 : vector<16xi32>
    %and3A_718 = arith.constant 8388607 : i32
    %and3A_719 = vector.broadcast %and3A_718 : i32 to vector<16xi32>
    %and3A_720 = arith.andi %bitcast_convert_type3A_711, %and3A_719 : vector<16xi32>
    %or3A_721 = arith.constant 1065353216 : i32
    %or3A_722 = vector.broadcast %or3A_721 : i32 to vector<16xi32>
    %or3A_723 = arith.ori %and3A_720, %or3A_722 : vector<16xi32>
    %bitcast_convert_type3A_724 = tpu.bitcast %or3A_723 : vector<16xi32> -> vector<16xf32>
    %ge3A_725 = arith.constant 1.41421354 : f32
    %ge3A_726 = vector.broadcast %ge3A_725 : f32 to vector<16xf32>
    %ge3A_727 = arith.cmpf oge, %bitcast_convert_type3A_724, %ge3A_726 : vector<16xf32>
    %mul3A_728 = arith.constant 5.000000e-01 : f32
    %mul3A_729 = vector.broadcast %mul3A_728 : f32 to vector<16xf32>
    %mul3A_730 = arith.mulf %bitcast_convert_type3A_724, %mul3A_729 : vector<16xf32>
    %select_n3A_731 = arith.select %ge3A_727, %mul3A_730, %bitcast_convert_type3A_724 : vector<16xi1>, vector<16xf32>
    %add3A_732 = arith.constant 1 : i32
    %add3A_733 = vector.broadcast %add3A_732 : i32 to vector<16xi32>
    %add3A_734 = arith.addi %sub3A_717, %add3A_733 : vector<16xi32>
    %select_n3A_735 = arith.select %ge3A_727, %add3A_734, %sub3A_717 : vector<16xi1>, vector<16xi32>
    %sub3A_736 = arith.constant 1.000000e+00 : f32
    %sub3A_737 = vector.broadcast %sub3A_736 : f32 to vector<16xf32>
    %sub3A_738 = arith.subf %select_n3A_731, %sub3A_737 : vector<16xf32>
    %add3A_739 = arith.constant 1.000000e+00 : f32
    %add3A_740 = vector.broadcast %add3A_739 : f32 to vector<16xf32>
    %add3A_741 = arith.addf %select_n3A_731, %add3A_740 : vector<16xf32>
    %div3A_742 = arith.divf %sub3A_738, %add3A_741 : vector<16xf32>
    %mul3A_743 = arith.mulf %div3A_742, %div3A_742 : vector<16xf32>
    %mul3A_744 = arith.constant 0.142857149 : f32
    %mul3A_745 = vector.broadcast %mul3A_744 : f32 to vector<16xf32>
    %mul3A_746 = arith.mulf %mul3A_743, %mul3A_745 : vector<16xf32>
    %add3A_747 = arith.constant 2.000000e-01 : f32
    %add3A_748 = vector.broadcast %add3A_747 : f32 to vector<16xf32>
    %add3A_749 = arith.addf %add3A_748, %mul3A_746 : vector<16xf32>
    %mul3A_750 = arith.mulf %mul3A_743, %add3A_749 : vector<16xf32>
    %add3A_751 = arith.constant 0.333333343 : f32
    %add3A_752 = vector.broadcast %add3A_751 : f32 to vector<16xf32>
    %add3A_753 = arith.addf %add3A_752, %mul3A_750 : vector<16xf32>
    %mul3A_754 = arith.mulf %mul3A_743, %add3A_753 : vector<16xf32>
    %add3A_755 = arith.constant 1.000000e+00 : f32
    %add3A_756 = vector.broadcast %add3A_755 : f32 to vector<16xf32>
    %add3A_757 = arith.addf %add3A_756, %mul3A_754 : vector<16xf32>
    %mul3A_758 = arith.mulf %div3A_742, %add3A_757 : vector<16xf32>
    %convert_element_type3A_759 = arith.sitofp %select_n3A_735 : vector<16xi32> to vector<16xf32>
    %mul3A_760 = arith.constant 2.885390e+00 : f32
    %mul3A_761 = vector.broadcast %mul3A_760 : f32 to vector<16xf32>
    %mul3A_762 = arith.mulf %mul3A_758, %mul3A_761 : vector<16xf32>
    %add3A_763 = arith.addf %convert_element_type3A_759, %mul3A_762 : vector<16xf32>
    %add3A_764 = arith.addf %add3A_674, %add3A_763 : vector<16xf32>
    %get3A_765 = arith.constant 48 : index
    %get3A_766 = tpu.vector_load %arg7[%get3A_765] {strides = array<i32>} : memref<128xi32, #tpu.memory_space<vmem>>, vector<16xi32>,
    %get3A_767 = vector.shape_cast %get3A_766 : vector<16xi32> to vector<16xi32>
    %get3A_768 = arith.constant 48 : index
    %get3A_769 = tpu.vector_load %arg8[%get3A_768] {strides = array<i32>} : memref<128xi32, #tpu.memory_space<vmem>>, vector<16xi32>,
    %get3A_770 = vector.shape_cast %get3A_769 : vector<16xi32> to vector<16xi32>
    %eq3A_771 = arith.constant 0 : i32
    %eq3A_772 = vector.broadcast %eq3A_771 : i32 to vector<16xi32>
    %eq3A_773 = arith.cmpi eq, %get3A_770, %eq3A_772 : vector<16xi32>
    %get3A_774 = arith.constant 48 : index
    %get3A_775 = tpu.vector_load %arg13[%get3A_774] {strides = array<i32>} : memref<128xf32, #tpu.memory_space<vmem>>, vector<16xf32>,
    %get3A_776 = vector.shape_cast %get3A_775 : vector<16xf32> to vector<16xf32>
    %jit3A_777 = arith.constant 0.000000e+00 : f32
    %broadcast_in_dim3A_778 = vector.broadcast %jit3A_777 : f32 to vector<16xf32>
    %select_n3A_779 = arith.select %eq3A_773, %broadcast_in_dim3A_778, %get3A_776 : vector<16xi1>, vector<16xf32>
    %add3A_780 = arith.constant 9.99999968E-21 : f32
    %add3A_781 = vector.broadcast %add3A_780 : f32 to vector<16xf32>
    %add3A_782 = arith.addf %select_n3A_779, %add3A_781 : vector<16xf32>
    %ne3A_783 = arith.constant 0 : i32
    %ne3A_784 = vector.broadcast %ne3A_783 : i32 to vector<16xi32>
    %ne3A_785 = arith.cmpi ne, %get3A_767, %ne3A_784 : vector<16xi32>
    %or3A_786 = arith.ori %eq3A_773, %ne3A_785 : vector<16xi1>
    %get3A_787 = arith.constant 48 : index
    %get3A_788 = tpu.vector_load %arg12[%get3A_787] {strides = array<i32>} : memref<128xf32, #tpu.memory_space<vmem>>, vector<16xf32>,
    %get3A_789 = vector.shape_cast %get3A_788 : vector<16xf32> to vector<16xf32>
    %add3A_790 = arith.addf %add3A_782, %get3A_789 : vector<16xf32>
    %select_n3A_791 = arith.select %or3A_786, %add3A_790, %add3A_782 : vector<16xi1>, vector<16xf32>
    %get3A_792 = arith.constant 48 : index
    %get3A_793 = tpu.vector_load %arg9[%get3A_792] {strides = array<i32>} : memref<128xi32, #tpu.memory_space<vmem>>, vector<16xi32>,
    %get3A_794 = vector.shape_cast %get3A_793 : vector<16xi32> to vector<16xi32>
    %eq3A_795 = arith.constant 1 : i32
    %eq3A_796 = vector.broadcast %eq3A_795 : i32 to vector<16xi32>
    %eq3A_797 = arith.cmpi eq, %get3A_794, %eq3A_796 : vector<16xi32>
    %jit3A_798 = arith.constant 1.000000e+00 : f32
    %broadcast_in_dim3A_799 = vector.broadcast %jit3A_798 : f32 to vector<16xf32>
    %select_n3A_800 = arith.select %eq3A_797, %broadcast_in_dim3A_799, %select_n3A_791 : vector<16xi1>, vector<16xf32>
    %bitcast_convert_type3A_801 = tpu.bitcast %select_n3A_800 : vector<16xf32> -> vector<16xi32>
    %shift_right_arithmetic3A_802 = arith.constant 23 : i32
    %shift_right_arithmetic3A_803 = vector.broadcast %shift_right_arithmetic3A_802 : i32 to vector<16xi32>
    %shift_right_arithmetic3A_804 = arith.shrsi %bitcast_convert_type3A_801, %shift_right_arithmetic3A_803 : vector<16xi32>
    %sub3A_805 = arith.constant 127 : i32
    %sub3A_806 = vector.broadcast %sub3A_805 : i32 to vector<16xi32>
    %sub3A_807 = arith.subi %shift_right_arithmetic3A_804, %sub3A_806 : vector<16xi32>
    %and3A_808 = arith.constant 8388607 : i32
    %and3A_809 = vector.broadcast %and3A_808 : i32 to vector<16xi32>
    %and3A_810 = arith.andi %bitcast_convert_type3A_801, %and3A_809 : vector<16xi32>
    %or3A_811 = arith.constant 1065353216 : i32
    %or3A_812 = vector.broadcast %or3A_811 : i32 to vector<16xi32>
    %or3A_813 = arith.ori %and3A_810, %or3A_812 : vector<16xi32>
    %bitcast_convert_type3A_814 = tpu.bitcast %or3A_813 : vector<16xi32> -> vector<16xf32>
    %ge3A_815 = arith.constant 1.41421354 : f32
    %ge3A_816 = vector.broadcast %ge3A_815 : f32 to vector<16xf32>
    %ge3A_817 = arith.cmpf oge, %bitcast_convert_type3A_814, %ge3A_816 : vector<16xf32>
    %mul3A_818 = arith.constant 5.000000e-01 : f32
    %mul3A_819 = vector.broadcast %mul3A_818 : f32 to vector<16xf32>
    %mul3A_820 = arith.mulf %bitcast_convert_type3A_814, %mul3A_819 : vector<16xf32>
    %select_n3A_821 = arith.select %ge3A_817, %mul3A_820, %bitcast_convert_type3A_814 : vector<16xi1>, vector<16xf32>
    %add3A_822 = arith.constant 1 : i32
    %add3A_823 = vector.broadcast %add3A_822 : i32 to vector<16xi32>
    %add3A_824 = arith.addi %sub3A_807, %add3A_823 : vector<16xi32>
    %select_n3A_825 = arith.select %ge3A_817, %add3A_824, %sub3A_807 : vector<16xi1>, vector<16xi32>
    %sub3A_826 = arith.constant 1.000000e+00 : f32
    %sub3A_827 = vector.broadcast %sub3A_826 : f32 to vector<16xf32>
    %sub3A_828 = arith.subf %select_n3A_821, %sub3A_827 : vector<16xf32>
    %add3A_829 = arith.constant 1.000000e+00 : f32
    %add3A_830 = vector.broadcast %add3A_829 : f32 to vector<16xf32>
    %add3A_831 = arith.addf %select_n3A_821, %add3A_830 : vector<16xf32>
    %div3A_832 = arith.divf %sub3A_828, %add3A_831 : vector<16xf32>
    %mul3A_833 = arith.mulf %div3A_832, %div3A_832 : vector<16xf32>
    %mul3A_834 = arith.constant 0.142857149 : f32
    %mul3A_835 = vector.broadcast %mul3A_834 : f32 to vector<16xf32>
    %mul3A_836 = arith.mulf %mul3A_833, %mul3A_835 : vector<16xf32>
    %add3A_837 = arith.constant 2.000000e-01 : f32
    %add3A_838 = vector.broadcast %add3A_837 : f32 to vector<16xf32>
    %add3A_839 = arith.addf %add3A_838, %mul3A_836 : vector<16xf32>
    %mul3A_840 = arith.mulf %mul3A_833, %add3A_839 : vector<16xf32>
    %add3A_841 = arith.constant 0.333333343 : f32
    %add3A_842 = vector.broadcast %add3A_841 : f32 to vector<16xf32>
    %add3A_843 = arith.addf %add3A_842, %mul3A_840 : vector<16xf32>
    %mul3A_844 = arith.mulf %mul3A_833, %add3A_843 : vector<16xf32>
    %add3A_845 = arith.constant 1.000000e+00 : f32
    %add3A_846 = vector.broadcast %add3A_845 : f32 to vector<16xf32>
    %add3A_847 = arith.addf %add3A_846, %mul3A_844 : vector<16xf32>
    %mul3A_848 = arith.mulf %div3A_832, %add3A_847 : vector<16xf32>
    %convert_element_type3A_849 = arith.sitofp %select_n3A_825 : vector<16xi32> to vector<16xf32>
    %mul3A_850 = arith.constant 2.885390e+00 : f32
    %mul3A_851 = vector.broadcast %mul3A_850 : f32 to vector<16xf32>
    %mul3A_852 = arith.mulf %mul3A_848, %mul3A_851 : vector<16xf32>
    %add3A_853 = arith.addf %convert_element_type3A_849, %mul3A_852 : vector<16xf32>
    %add3A_854 = arith.addf %add3A_764, %add3A_853 : vector<16xf32>
    %get3A_855 = arith.constant 64 : index
    %get3A_856 = tpu.vector_load %arg7[%get3A_855] {strides = array<i32>} : memref<128xi32, #tpu.memory_space<vmem>>, vector<16xi32>,
    %get3A_857 = vector.shape_cast %get3A_856 : vector<16xi32> to vector<16xi32>
    %get3A_858 = arith.constant 64 : index
    %get3A_859 = tpu.vector_load %arg8[%get3A_858] {strides = array<i32>} : memref<128xi32, #tpu.memory_space<vmem>>, vector<16xi32>,
    %get3A_860 = vector.shape_cast %get3A_859 : vector<16xi32> to vector<16xi32>
    %eq3A_861 = arith.constant 0 : i32
    %eq3A_862 = vector.broadcast %eq3A_861 : i32 to vector<16xi32>
    %eq3A_863 = arith.cmpi eq, %get3A_860, %eq3A_862 : vector<16xi32>
    %get3A_864 = arith.constant 64 : index
    %get3A_865 = tpu.vector_load %arg13[%get3A_864] {strides = array<i32>} : memref<128xf32, #tpu.memory_space<vmem>>, vector<16xf32>,
    %get3A_866 = vector.shape_cast %get3A_865 : vector<16xf32> to vector<16xf32>
    %jit3A_867 = arith.constant 0.000000e+00 : f32
    %broadcast_in_dim3A_868 = vector.broadcast %jit3A_867 : f32 to vector<16xf32>
    %select_n3A_869 = arith.select %eq3A_863, %broadcast_in_dim3A_868, %get3A_866 : vector<16xi1>, vector<16xf32>
    %add3A_870 = arith.constant 9.99999968E-21 : f32
    %add3A_871 = vector.broadcast %add3A_870 : f32 to vector<16xf32>
    %add3A_872 = arith.addf %select_n3A_869, %add3A_871 : vector<16xf32>
    %ne3A_873 = arith.constant 0 : i32
    %ne3A_874 = vector.broadcast %ne3A_873 : i32 to vector<16xi32>
    %ne3A_875 = arith.cmpi ne, %get3A_857, %ne3A_874 : vector<16xi32>
    %or3A_876 = arith.ori %eq3A_863, %ne3A_875 : vector<16xi1>
    %get3A_877 = arith.constant 64 : index
    %get3A_878 = tpu.vector_load %arg12[%get3A_877] {strides = array<i32>} : memref<128xf32, #tpu.memory_space<vmem>>, vector<16xf32>,
    %get3A_879 = vector.shape_cast %get3A_878 : vector<16xf32> to vector<16xf32>
    %add3A_880 = arith.addf %add3A_872, %get3A_879 : vector<16xf32>
    %select_n3A_881 = arith.select %or3A_876, %add3A_880, %add3A_872 : vector<16xi1>, vector<16xf32>
    %get3A_882 = arith.constant 64 : index
    %get3A_883 = tpu.vector_load %arg9[%get3A_882] {strides = array<i32>} : memref<128xi32, #tpu.memory_space<vmem>>, vector<16xi32>,
    %get3A_884 = vector.shape_cast %get3A_883 : vector<16xi32> to vector<16xi32>
    %eq3A_885 = arith.constant 1 : i32
    %eq3A_886 = vector.broadcast %eq3A_885 : i32 to vector<16xi32>
    %eq3A_887 = arith.cmpi eq, %get3A_884, %eq3A_886 : vector<16xi32>
    %jit3A_888 = arith.constant 1.000000e+00 : f32
    %broadcast_in_dim3A_889 = vector.broadcast %jit3A_888 : f32 to vector<16xf32>
    %select_n3A_890 = arith.select %eq3A_887, %broadcast_in_dim3A_889, %select_n3A_881 : vector<16xi1>, vector<16xf32>
    %bitcast_convert_type3A_891 = tpu.bitcast %select_n3A_890 : vector<16xf32> -> vector<16xi32>
    %shift_right_arithmetic3A_892 = arith.constant 23 : i32
    %shift_right_arithmetic3A_893 = vector.broadcast %shift_right_arithmetic3A_892 : i32 to vector<16xi32>
    %shift_right_arithmetic3A_894 = arith.shrsi %bitcast_convert_type3A_891, %shift_right_arithmetic3A_893 : vector<16xi32>
    %sub3A_895 = arith.constant 127 : i32
    %sub3A_896 = vector.broadcast %sub3A_895 : i32 to vector<16xi32>
    %sub3A_897 = arith.subi %shift_right_arithmetic3A_894, %sub3A_896 : vector<16xi32>
    %and3A_898 = arith.constant 8388607 : i32
    %and3A_899 = vector.broadcast %and3A_898 : i32 to vector<16xi32>
    %and3A_900 = arith.andi %bitcast_convert_type3A_891, %and3A_899 : vector<16xi32>
    %or3A_901 = arith.constant 1065353216 : i32
    %or3A_902 = vector.broadcast %or3A_901 : i32 to vector<16xi32>
    %or3A_903 = arith.ori %and3A_900, %or3A_902 : vector<16xi32>
    %bitcast_convert_type3A_904 = tpu.bitcast %or3A_903 : vector<16xi32> -> vector<16xf32>
    %ge3A_905 = arith.constant 1.41421354 : f32
    %ge3A_906 = vector.broadcast %ge3A_905 : f32 to vector<16xf32>
    %ge3A_907 = arith.cmpf oge, %bitcast_convert_type3A_904, %ge3A_906 : vector<16xf32>
    %mul3A_908 = arith.constant 5.000000e-01 : f32
    %mul3A_909 = vector.broadcast %mul3A_908 : f32 to vector<16xf32>
    %mul3A_910 = arith.mulf %bitcast_convert_type3A_904, %mul3A_909 : vector<16xf32>
    %select_n3A_911 = arith.select %ge3A_907, %mul3A_910, %bitcast_convert_type3A_904 : vector<16xi1>, vector<16xf32>
    %add3A_912 = arith.constant 1 : i32
    %add3A_913 = vector.broadcast %add3A_912 : i32 to vector<16xi32>
    %add3A_914 = arith.addi %sub3A_897, %add3A_913 : vector<16xi32>
    %select_n3A_915 = arith.select %ge3A_907, %add3A_914, %sub3A_897 : vector<16xi1>, vector<16xi32>
    %sub3A_916 = arith.constant 1.000000e+00 : f32
    %sub3A_917 = vector.broadcast %sub3A_916 : f32 to vector<16xf32>
    %sub3A_918 = arith.subf %select_n3A_911, %sub3A_917 : vector<16xf32>
    %add3A_919 = arith.constant 1.000000e+00 : f32
    %add3A_920 = vector.broadcast %add3A_919 : f32 to vector<16xf32>
    %add3A_921 = arith.addf %select_n3A_911, %add3A_920 : vector<16xf32>
    %div3A_922 = arith.divf %sub3A_918, %add3A_921 : vector<16xf32>
    %mul3A_923 = arith.mulf %div3A_922, %div3A_922 : vector<16xf32>
    %mul3A_924 = arith.constant 0.142857149 : f32
    %mul3A_925 = vector.broadcast %mul3A_924 : f32 to vector<16xf32>
    %mul3A_926 = arith.mulf %mul3A_923, %mul3A_925 : vector<16xf32>
    %add3A_927 = arith.constant 2.000000e-01 : f32
    %add3A_928 = vector.broadcast %add3A_927 : f32 to vector<16xf32>
    %add3A_929 = arith.addf %add3A_928, %mul3A_926 : vector<16xf32>
    %mul3A_930 = arith.mulf %mul3A_923, %add3A_929 : vector<16xf32>
    %add3A_931 = arith.constant 0.333333343 : f32
    %add3A_932 = vector.broadcast %add3A_931 : f32 to vector<16xf32>
    %add3A_933 = arith.addf %add3A_932, %mul3A_930 : vector<16xf32>
    %mul3A_934 = arith.mulf %mul3A_923, %add3A_933 : vector<16xf32>
    %add3A_935 = arith.constant 1.000000e+00 : f32
    %add3A_936 = vector.broadcast %add3A_935 : f32 to vector<16xf32>
    %add3A_937 = arith.addf %add3A_936, %mul3A_934 : vector<16xf32>
    %mul3A_938 = arith.mulf %div3A_922, %add3A_937 : vector<16xf32>
    %convert_element_type3A_939 = arith.sitofp %select_n3A_915 : vector<16xi32> to vector<16xf32>
    %mul3A_940 = arith.constant 2.885390e+00 : f32
    %mul3A_941 = vector.broadcast %mul3A_940 : f32 to vector<16xf32>
    %mul3A_942 = arith.mulf %mul3A_938, %mul3A_941 : vector<16xf32>
    %add3A_943 = arith.addf %convert_element_type3A_939, %mul3A_942 : vector<16xf32>
    %add3A_944 = arith.addf %add3A_854, %add3A_943 : vector<16xf32>
    %get3A_945 = arith.constant 80 : index
    %get3A_946 = tpu.vector_load %arg7[%get3A_945] {strides = array<i32>} : memref<128xi32, #tpu.memory_space<vmem>>, vector<16xi32>,
    %get3A_947 = vector.shape_cast %get3A_946 : vector<16xi32> to vector<16xi32>
    %get3A_948 = arith.constant 80 : index
    %get3A_949 = tpu.vector_load %arg8[%get3A_948] {strides = array<i32>} : memref<128xi32, #tpu.memory_space<vmem>>, vector<16xi32>,
    %get3A_950 = vector.shape_cast %get3A_949 : vector<16xi32> to vector<16xi32>
    %eq3A_951 = arith.constant 0 : i32
    %eq3A_952 = vector.broadcast %eq3A_951 : i32 to vector<16xi32>
    %eq3A_953 = arith.cmpi eq, %get3A_950, %eq3A_952 : vector<16xi32>
    %get3A_954 = arith.constant 80 : index
    %get3A_955 = tpu.vector_load %arg13[%get3A_954] {strides = array<i32>} : memref<128xf32, #tpu.memory_space<vmem>>, vector<16xf32>,
    %get3A_956 = vector.shape_cast %get3A_955 : vector<16xf32> to vector<16xf32>
    %jit3A_957 = arith.constant 0.000000e+00 : f32
    %broadcast_in_dim3A_958 = vector.broadcast %jit3A_957 : f32 to vector<16xf32>
    %select_n3A_959 = arith.select %eq3A_953, %broadcast_in_dim3A_958, %get3A_956 : vector<16xi1>, vector<16xf32>
    %add3A_960 = arith.constant 9.99999968E-21 : f32
    %add3A_961 = vector.broadcast %add3A_960 : f32 to vector<16xf32>
    %add3A_962 = arith.addf %select_n3A_959, %add3A_961 : vector<16xf32>
    %ne3A_963 = arith.constant 0 : i32
    %ne3A_964 = vector.broadcast %ne3A_963 : i32 to vector<16xi32>
    %ne3A_965 = arith.cmpi ne, %get3A_947, %ne3A_964 : vector<16xi32>
    %or3A_966 = arith.ori %eq3A_953, %ne3A_965 : vector<16xi1>
    %get3A_967 = arith.constant 80 : index
    %get3A_968 = tpu.vector_load %arg12[%get3A_967] {strides = array<i32>} : memref<128xf32, #tpu.memory_space<vmem>>, vector<16xf32>,
    %get3A_969 = vector.shape_cast %get3A_968 : vector<16xf32> to vector<16xf32>
    %add3A_970 = arith.addf %add3A_962, %get3A_969 : vector<16xf32>
    %select_n3A_971 = arith.select %or3A_966, %add3A_970, %add3A_962 : vector<16xi1>, vector<16xf32>
    %get3A_972 = arith.constant 80 : index
    %get3A_973 = tpu.vector_load %arg9[%get3A_972] {strides = array<i32>} : memref<128xi32, #tpu.memory_space<vmem>>, vector<16xi32>,
    %get3A_974 = vector.shape_cast %get3A_973 : vector<16xi32> to vector<16xi32>
    %eq3A_975 = arith.constant 1 : i32
    %eq3A_976 = vector.broadcast %eq3A_975 : i32 to vector<16xi32>
    %eq3A_977 = arith.cmpi eq, %get3A_974, %eq3A_976 : vector<16xi32>
    %jit3A_978 = arith.constant 1.000000e+00 : f32
    %broadcast_in_dim3A_979 = vector.broadcast %jit3A_978 : f32 to vector<16xf32>
    %select_n3A_980 = arith.select %eq3A_977, %broadcast_in_dim3A_979, %select_n3A_971 : vector<16xi1>, vector<16xf32>
    %bitcast_convert_type3A_981 = tpu.bitcast %select_n3A_980 : vector<16xf32> -> vector<16xi32>
    %shift_right_arithmetic3A_982 = arith.constant 23 : i32
    %shift_right_arithmetic3A_983 = vector.broadcast %shift_right_arithmetic3A_982 : i32 to vector<16xi32>
    %shift_right_arithmetic3A_984 = arith.shrsi %bitcast_convert_type3A_981, %shift_right_arithmetic3A_983 : vector<16xi32>
    %sub3A_985 = arith.constant 127 : i32
    %sub3A_986 = vector.broadcast %sub3A_985 : i32 to vector<16xi32>
    %sub3A_987 = arith.subi %shift_right_arithmetic3A_984, %sub3A_986 : vector<16xi32>
    %and3A_988 = arith.constant 8388607 : i32
    %and3A_989 = vector.broadcast %and3A_988 : i32 to vector<16xi32>
    %and3A_990 = arith.andi %bitcast_convert_type3A_981, %and3A_989 : vector<16xi32>
    %or3A_991 = arith.constant 1065353216 : i32
    %or3A_992 = vector.broadcast %or3A_991 : i32 to vector<16xi32>
    %or3A_993 = arith.ori %and3A_990, %or3A_992 : vector<16xi32>
    %bitcast_convert_type3A_994 = tpu.bitcast %or3A_993 : vector<16xi32> -> vector<16xf32>
    %ge3A_995 = arith.constant 1.41421354 : f32
    %ge3A_996 = vector.broadcast %ge3A_995 : f32 to vector<16xf32>
    %ge3A_997 = arith.cmpf oge, %bitcast_convert_type3A_994, %ge3A_996 : vector<16xf32>
    %mul3A_998 = arith.constant 5.000000e-01 : f32
    %mul3A_999 = vector.broadcast %mul3A_998 : f32 to vector<16xf32>
    %mul3A_1000 = arith.mulf %bitcast_convert_type3A_994, %mul3A_999 : vector<16xf32>
    %select_n3A_1001 = arith.select %ge3A_997, %mul3A_1000, %bitcast_convert_type3A_994 : vector<16xi1>, vector<16xf32>
    %add3A_1002 = arith.constant 1 : i32
    %add3A_1003 = vector.broadcast %add3A_1002 : i32 to vector<16xi32>
    %add3A_1004 = arith.addi %sub3A_987, %add3A_1003 : vector<16xi32>
    %select_n3A_1005 = arith.select %ge3A_997, %add3A_1004, %sub3A_987 : vector<16xi1>, vector<16xi32>
    %sub3A_1006 = arith.constant 1.000000e+00 : f32
    %sub3A_1007 = vector.broadcast %sub3A_1006 : f32 to vector<16xf32>
    %sub3A_1008 = arith.subf %select_n3A_1001, %sub3A_1007 : vector<16xf32>
    %add3A_1009 = arith.constant 1.000000e+00 : f32
    %add3A_1010 = vector.broadcast %add3A_1009 : f32 to vector<16xf32>
    %add3A_1011 = arith.addf %select_n3A_1001, %add3A_1010 : vector<16xf32>
    %div3A_1012 = arith.divf %sub3A_1008, %add3A_1011 : vector<16xf32>
    %mul3A_1013 = arith.mulf %div3A_1012, %div3A_1012 : vector<16xf32>
    %mul3A_1014 = arith.constant 0.142857149 : f32
    %mul3A_1015 = vector.broadcast %mul3A_1014 : f32 to vector<16xf32>
    %mul3A_1016 = arith.mulf %mul3A_1013, %mul3A_1015 : vector<16xf32>
    %add3A_1017 = arith.constant 2.000000e-01 : f32
    %add3A_1018 = vector.broadcast %add3A_1017 : f32 to vector<16xf32>
    %add3A_1019 = arith.addf %add3A_1018, %mul3A_1016 : vector<16xf32>
    %mul3A_1020 = arith.mulf %mul3A_1013, %add3A_1019 : vector<16xf32>
    %add3A_1021 = arith.constant 0.333333343 : f32
    %add3A_1022 = vector.broadcast %add3A_1021 : f32 to vector<16xf32>
    %add3A_1023 = arith.addf %add3A_1022, %mul3A_1020 : vector<16xf32>
    %mul3A_1024 = arith.mulf %mul3A_1013, %add3A_1023 : vector<16xf32>
    %add3A_1025 = arith.constant 1.000000e+00 : f32
    %add3A_1026 = vector.broadcast %add3A_1025 : f32 to vector<16xf32>
    %add3A_1027 = arith.addf %add3A_1026, %mul3A_1024 : vector<16xf32>
    %mul3A_1028 = arith.mulf %div3A_1012, %add3A_1027 : vector<16xf32>
    %convert_element_type3A_1029 = arith.sitofp %select_n3A_1005 : vector<16xi32> to vector<16xf32>
    %mul3A_1030 = arith.constant 2.885390e+00 : f32
    %mul3A_1031 = vector.broadcast %mul3A_1030 : f32 to vector<16xf32>
    %mul3A_1032 = arith.mulf %mul3A_1028, %mul3A_1031 : vector<16xf32>
    %add3A_1033 = arith.addf %convert_element_type3A_1029, %mul3A_1032 : vector<16xf32>
    %add3A_1034 = arith.addf %add3A_944, %add3A_1033 : vector<16xf32>
    %get3A_1035 = arith.constant 96 : index
    %get3A_1036 = tpu.vector_load %arg7[%get3A_1035] {strides = array<i32>} : memref<128xi32, #tpu.memory_space<vmem>>, vector<16xi32>,
    %get3A_1037 = vector.shape_cast %get3A_1036 : vector<16xi32> to vector<16xi32>
    %get3A_1038 = arith.constant 96 : index
    %get3A_1039 = tpu.vector_load %arg8[%get3A_1038] {strides = array<i32>} : memref<128xi32, #tpu.memory_space<vmem>>, vector<16xi32>,
    %get3A_1040 = vector.shape_cast %get3A_1039 : vector<16xi32> to vector<16xi32>
    %eq3A_1041 = arith.constant 0 : i32
    %eq3A_1042 = vector.broadcast %eq3A_1041 : i32 to vector<16xi32>
    %eq3A_1043 = arith.cmpi eq, %get3A_1040, %eq3A_1042 : vector<16xi32>
    %get3A_1044 = arith.constant 96 : index
    %get3A_1045 = tpu.vector_load %arg13[%get3A_1044] {strides = array<i32>} : memref<128xf32, #tpu.memory_space<vmem>>, vector<16xf32>,
    %get3A_1046 = vector.shape_cast %get3A_1045 : vector<16xf32> to vector<16xf32>
    %jit3A_1047 = arith.constant 0.000000e+00 : f32
    %broadcast_in_dim3A_1048 = vector.broadcast %jit3A_1047 : f32 to vector<16xf32>
    %select_n3A_1049 = arith.select %eq3A_1043, %broadcast_in_dim3A_1048, %get3A_1046 : vector<16xi1>, vector<16xf32>
    %add3A_1050 = arith.constant 9.99999968E-21 : f32
    %add3A_1051 = vector.broadcast %add3A_1050 : f32 to vector<16xf32>
    %add3A_1052 = arith.addf %select_n3A_1049, %add3A_1051 : vector<16xf32>
    %ne3A_1053 = arith.constant 0 : i32
    %ne3A_1054 = vector.broadcast %ne3A_1053 : i32 to vector<16xi32>
    %ne3A_1055 = arith.cmpi ne, %get3A_1037, %ne3A_1054 : vector<16xi32>
    %or3A_1056 = arith.ori %eq3A_1043, %ne3A_1055 : vector<16xi1>
    %get3A_1057 = arith.constant 96 : index
    %get3A_1058 = tpu.vector_load %arg12[%get3A_1057] {strides = array<i32>} : memref<128xf32, #tpu.memory_space<vmem>>, vector<16xf32>,
    %get3A_1059 = vector.shape_cast %get3A_1058 : vector<16xf32> to vector<16xf32>
    %add3A_1060 = arith.addf %add3A_1052, %get3A_1059 : vector<16xf32>
    %select_n3A_1061 = arith.select %or3A_1056, %add3A_1060, %add3A_1052 : vector<16xi1>, vector<16xf32>
    %get3A_1062 = arith.constant 96 : index
    %get3A_1063 = tpu.vector_load %arg9[%get3A_1062] {strides = array<i32>} : memref<128xi32, #tpu.memory_space<vmem>>, vector<16xi32>,
    %get3A_1064 = vector.shape_cast %get3A_1063 : vector<16xi32> to vector<16xi32>
    %eq3A_1065 = arith.constant 1 : i32
    %eq3A_1066 = vector.broadcast %eq3A_1065 : i32 to vector<16xi32>
    %eq3A_1067 = arith.cmpi eq, %get3A_1064, %eq3A_1066 : vector<16xi32>
    %jit3A_1068 = arith.constant 1.000000e+00 : f32
    %broadcast_in_dim3A_1069 = vector.broadcast %jit3A_1068 : f32 to vector<16xf32>
    %select_n3A_1070 = arith.select %eq3A_1067, %broadcast_in_dim3A_1069, %select_n3A_1061 : vector<16xi1>, vector<16xf32>
    %bitcast_convert_type3A_1071 = tpu.bitcast %select_n3A_1070 : vector<16xf32> -> vector<16xi32>
    %shift_right_arithmetic3A_1072 = arith.constant 23 : i32
    %shift_right_arithmetic3A_1073 = vector.broadcast %shift_right_arithmetic3A_1072 : i32 to vector<16xi32>
    %shift_right_arithmetic3A_1074 = arith.shrsi %bitcast_convert_type3A_1071, %shift_right_arithmetic3A_1073 : vector<16xi32>
    %sub3A_1075 = arith.constant 127 : i32
    %sub3A_1076 = vector.broadcast %sub3A_1075 : i32 to vector<16xi32>
    %sub3A_1077 = arith.subi %shift_right_arithmetic3A_1074, %sub3A_1076 : vector<16xi32>
    %and3A_1078 = arith.constant 8388607 : i32
    %and3A_1079 = vector.broadcast %and3A_1078 : i32 to vector<16xi32>
    %and3A_1080 = arith.andi %bitcast_convert_type3A_1071, %and3A_1079 : vector<16xi32>
    %or3A_1081 = arith.constant 1065353216 : i32
    %or3A_1082 = vector.broadcast %or3A_1081 : i32 to vector<16xi32>
    %or3A_1083 = arith.ori %and3A_1080, %or3A_1082 : vector<16xi32>
    %bitcast_convert_type3A_1084 = tpu.bitcast %or3A_1083 : vector<16xi32> -> vector<16xf32>
    %ge3A_1085 = arith.constant 1.41421354 : f32
    %ge3A_1086 = vector.broadcast %ge3A_1085 : f32 to vector<16xf32>
    %ge3A_1087 = arith.cmpf oge, %bitcast_convert_type3A_1084, %ge3A_1086 : vector<16xf32>
    %mul3A_1088 = arith.constant 5.000000e-01 : f32
    %mul3A_1089 = vector.broadcast %mul3A_1088 : f32 to vector<16xf32>
    %mul3A_1090 = arith.mulf %bitcast_convert_type3A_1084, %mul3A_1089 : vector<16xf32>
    %select_n3A_1091 = arith.select %ge3A_1087, %mul3A_1090, %bitcast_convert_type3A_1084 : vector<16xi1>, vector<16xf32>
    %add3A_1092 = arith.constant 1 : i32
    %add3A_1093 = vector.broadcast %add3A_1092 : i32 to vector<16xi32>
    %add3A_1094 = arith.addi %sub3A_1077, %add3A_1093 : vector<16xi32>
    %select_n3A_1095 = arith.select %ge3A_1087, %add3A_1094, %sub3A_1077 : vector<16xi1>, vector<16xi32>
    %sub3A_1096 = arith.constant 1.000000e+00 : f32
    %sub3A_1097 = vector.broadcast %sub3A_1096 : f32 to vector<16xf32>
    %sub3A_1098 = arith.subf %select_n3A_1091, %sub3A_1097 : vector<16xf32>
    %add3A_1099 = arith.constant 1.000000e+00 : f32
    %add3A_1100 = vector.broadcast %add3A_1099 : f32 to vector<16xf32>
    %add3A_1101 = arith.addf %select_n3A_1091, %add3A_1100 : vector<16xf32>
    %div3A_1102 = arith.divf %sub3A_1098, %add3A_1101 : vector<16xf32>
    %mul3A_1103 = arith.mulf %div3A_1102, %div3A_1102 : vector<16xf32>
    %mul3A_1104 = arith.constant 0.142857149 : f32
    %mul3A_1105 = vector.broadcast %mul3A_1104 : f32 to vector<16xf32>
    %mul3A_1106 = arith.mulf %mul3A_1103, %mul3A_1105 : vector<16xf32>
    %add3A_1107 = arith.constant 2.000000e-01 : f32
    %add3A_1108 = vector.broadcast %add3A_1107 : f32 to vector<16xf32>
    %add3A_1109 = arith.addf %add3A_1108, %mul3A_1106 : vector<16xf32>
    %mul3A_1110 = arith.mulf %mul3A_1103, %add3A_1109 : vector<16xf32>
    %add3A_1111 = arith.constant 0.333333343 : f32
    %add3A_1112 = vector.broadcast %add3A_1111 : f32 to vector<16xf32>
    %add3A_1113 = arith.addf %add3A_1112, %mul3A_1110 : vector<16xf32>
    %mul3A_1114 = arith.mulf %mul3A_1103, %add3A_1113 : vector<16xf32>
    %add3A_1115 = arith.constant 1.000000e+00 : f32
    %add3A_1116 = vector.broadcast %add3A_1115 : f32 to vector<16xf32>
    %add3A_1117 = arith.addf %add3A_1116, %mul3A_1114 : vector<16xf32>
    %mul3A_1118 = arith.mulf %div3A_1102, %add3A_1117 : vector<16xf32>
    %convert_element_type3A_1119 = arith.sitofp %select_n3A_1095 : vector<16xi32> to vector<16xf32>
    %mul3A_1120 = arith.constant 2.885390e+00 : f32
    %mul3A_1121 = vector.broadcast %mul3A_1120 : f32 to vector<16xf32>
    %mul3A_1122 = arith.mulf %mul3A_1118, %mul3A_1121 : vector<16xf32>
    %add3A_1123 = arith.addf %convert_element_type3A_1119, %mul3A_1122 : vector<16xf32>
    %add3A_1124 = arith.addf %add3A_1034, %add3A_1123 : vector<16xf32>
    %get3A_1125 = arith.constant 112 : index
    %get3A_1126 = tpu.vector_load %arg7[%get3A_1125] {strides = array<i32>} : memref<128xi32, #tpu.memory_space<vmem>>, vector<16xi32>,
    %get3A_1127 = vector.shape_cast %get3A_1126 : vector<16xi32> to vector<16xi32>
    %get3A_1128 = arith.constant 112 : index
    %get3A_1129 = tpu.vector_load %arg8[%get3A_1128] {strides = array<i32>} : memref<128xi32, #tpu.memory_space<vmem>>, vector<16xi32>,
    %get3A_1130 = vector.shape_cast %get3A_1129 : vector<16xi32> to vector<16xi32>
    %eq3A_1131 = arith.constant 0 : i32
    %eq3A_1132 = vector.broadcast %eq3A_1131 : i32 to vector<16xi32>
    %eq3A_1133 = arith.cmpi eq, %get3A_1130, %eq3A_1132 : vector<16xi32>
    %get3A_1134 = arith.constant 112 : index
    %get3A_1135 = tpu.vector_load %arg13[%get3A_1134] {strides = array<i32>} : memref<128xf32, #tpu.memory_space<vmem>>, vector<16xf32>,
    %get3A_1136 = vector.shape_cast %get3A_1135 : vector<16xf32> to vector<16xf32>
    %jit3A_1137 = arith.constant 0.000000e+00 : f32
    %broadcast_in_dim3A_1138 = vector.broadcast %jit3A_1137 : f32 to vector<16xf32>
    %select_n3A_1139 = arith.select %eq3A_1133, %broadcast_in_dim3A_1138, %get3A_1136 : vector<16xi1>, vector<16xf32>
    %add3A_1140 = arith.constant 9.99999968E-21 : f32
    %add3A_1141 = vector.broadcast %add3A_1140 : f32 to vector<16xf32>
    %add3A_1142 = arith.addf %select_n3A_1139, %add3A_1141 : vector<16xf32>
    %ne3A_1143 = arith.constant 0 : i32
    %ne3A_1144 = vector.broadcast %ne3A_1143 : i32 to vector<16xi32>
    %ne3A_1145 = arith.cmpi ne, %get3A_1127, %ne3A_1144 : vector<16xi32>
    %or3A_1146 = arith.ori %eq3A_1133, %ne3A_1145 : vector<16xi1>
    %get3A_1147 = arith.constant 112 : index
    %get3A_1148 = tpu.vector_load %arg12[%get3A_1147] {strides = array<i32>} : memref<128xf32, #tpu.memory_space<vmem>>, vector<16xf32>,
    %get3A_1149 = vector.shape_cast %get3A_1148 : vector<16xf32> to vector<16xf32>
    %add3A_1150 = arith.addf %add3A_1142, %get3A_1149 : vector<16xf32>
    %select_n3A_1151 = arith.select %or3A_1146, %add3A_1150, %add3A_1142 : vector<16xi1>, vector<16xf32>
    %get3A_1152 = arith.constant 112 : index
    %get3A_1153 = tpu.vector_load %arg9[%get3A_1152] {strides = array<i32>} : memref<128xi32, #tpu.memory_space<vmem>>, vector<16xi32>,
    %get3A_1154 = vector.shape_cast %get3A_1153 : vector<16xi32> to vector<16xi32>
    %eq3A_1155 = arith.constant 1 : i32
    %eq3A_1156 = vector.broadcast %eq3A_1155 : i32 to vector<16xi32>
    %eq3A_1157 = arith.cmpi eq, %get3A_1154, %eq3A_1156 : vector<16xi32>
    %jit3A_1158 = arith.constant 1.000000e+00 : f32
    %broadcast_in_dim3A_1159 = vector.broadcast %jit3A_1158 : f32 to vector<16xf32>
    %select_n3A_1160 = arith.select %eq3A_1157, %broadcast_in_dim3A_1159, %select_n3A_1151 : vector<16xi1>, vector<16xf32>
    %bitcast_convert_type3A_1161 = tpu.bitcast %select_n3A_1160 : vector<16xf32> -> vector<16xi32>
    %shift_right_arithmetic3A_1162 = arith.constant 23 : i32
    %shift_right_arithmetic3A_1163 = vector.broadcast %shift_right_arithmetic3A_1162 : i32 to vector<16xi32>
    %shift_right_arithmetic3A_1164 = arith.shrsi %bitcast_convert_type3A_1161, %shift_right_arithmetic3A_1163 : vector<16xi32>
    %sub3A_1165 = arith.constant 127 : i32
    %sub3A_1166 = vector.broadcast %sub3A_1165 : i32 to vector<16xi32>
    %sub3A_1167 = arith.subi %shift_right_arithmetic3A_1164, %sub3A_1166 : vector<16xi32>
    %and3A_1168 = arith.constant 8388607 : i32
    %and3A_1169 = vector.broadcast %and3A_1168 : i32 to vector<16xi32>
    %and3A_1170 = arith.andi %bitcast_convert_type3A_1161, %and3A_1169 : vector<16xi32>
    %or3A_1171 = arith.constant 1065353216 : i32
    %or3A_1172 = vector.broadcast %or3A_1171 : i32 to vector<16xi32>
    %or3A_1173 = arith.ori %and3A_1170, %or3A_1172 : vector<16xi32>
    %bitcast_convert_type3A_1174 = tpu.bitcast %or3A_1173 : vector<16xi32> -> vector<16xf32>
    %ge3A_1175 = arith.constant 1.41421354 : f32
    %ge3A_1176 = vector.broadcast %ge3A_1175 : f32 to vector<16xf32>
    %ge3A_1177 = arith.cmpf oge, %bitcast_convert_type3A_1174, %ge3A_1176 : vector<16xf32>
    %mul3A_1178 = arith.constant 5.000000e-01 : f32
    %mul3A_1179 = vector.broadcast %mul3A_1178 : f32 to vector<16xf32>
    %mul3A_1180 = arith.mulf %bitcast_convert_type3A_1174, %mul3A_1179 : vector<16xf32>
    %select_n3A_1181 = arith.select %ge3A_1177, %mul3A_1180, %bitcast_convert_type3A_1174 : vector<16xi1>, vector<16xf32>
    %add3A_1182 = arith.constant 1 : i32
    %add3A_1183 = vector.broadcast %add3A_1182 : i32 to vector<16xi32>
    %add3A_1184 = arith.addi %sub3A_1167, %add3A_1183 : vector<16xi32>
    %select_n3A_1185 = arith.select %ge3A_1177, %add3A_1184, %sub3A_1167 : vector<16xi1>, vector<16xi32>
    %sub3A_1186 = arith.constant 1.000000e+00 : f32
    %sub3A_1187 = vector.broadcast %sub3A_1186 : f32 to vector<16xf32>
    %sub3A_1188 = arith.subf %select_n3A_1181, %sub3A_1187 : vector<16xf32>
    %add3A_1189 = arith.constant 1.000000e+00 : f32
    %add3A_1190 = vector.broadcast %add3A_1189 : f32 to vector<16xf32>
    %add3A_1191 = arith.addf %select_n3A_1181, %add3A_1190 : vector<16xf32>
    %div3A_1192 = arith.divf %sub3A_1188, %add3A_1191 : vector<16xf32>
    %mul3A_1193 = arith.mulf %div3A_1192, %div3A_1192 : vector<16xf32>
    %mul3A_1194 = arith.constant 0.142857149 : f32
    %mul3A_1195 = vector.broadcast %mul3A_1194 : f32 to vector<16xf32>
    %mul3A_1196 = arith.mulf %mul3A_1193, %mul3A_1195 : vector<16xf32>
    %add3A_1197 = arith.constant 2.000000e-01 : f32
    %add3A_1198 = vector.broadcast %add3A_1197 : f32 to vector<16xf32>
    %add3A_1199 = arith.addf %add3A_1198, %mul3A_1196 : vector<16xf32>
    %mul3A_1200 = arith.mulf %mul3A_1193, %add3A_1199 : vector<16xf32>
    %add3A_1201 = arith.constant 0.333333343 : f32
    %add3A_1202 = vector.broadcast %add3A_1201 : f32 to vector<16xf32>
    %add3A_1203 = arith.addf %add3A_1202, %mul3A_1200 : vector<16xf32>
    %mul3A_1204 = arith.mulf %mul3A_1193, %add3A_1203 : vector<16xf32>
    %add3A_1205 = arith.constant 1.000000e+00 : f32
    %add3A_1206 = vector.broadcast %add3A_1205 : f32 to vector<16xf32>
    %add3A_1207 = arith.addf %add3A_1206, %mul3A_1204 : vector<16xf32>
    %mul3A_1208 = arith.mulf %div3A_1192, %add3A_1207 : vector<16xf32>
    %convert_element_type3A_1209 = arith.sitofp %select_n3A_1185 : vector<16xi32> to vector<16xf32>
    %mul3A_1210 = arith.constant 2.885390e+00 : f32
    %mul3A_1211 = vector.broadcast %mul3A_1210 : f32 to vector<16xf32>
    %mul3A_1212 = arith.mulf %mul3A_1208, %mul3A_1211 : vector<16xf32>
    %add3A_1213 = arith.addf %convert_element_type3A_1209, %mul3A_1212 : vector<16xf32>
    %add3A_1214 = arith.addf %add3A_1124, %add3A_1213 : vector<16xf32>
    %swap3A_1215 = arith.constant 0 : index
    %swap3A_1216 = tpu.vector_load %arg14[%swap3A_1215] {strides = array<i32>} : memref<16xf32, #tpu.memory_space<vmem>>, vector<16xf32>,
    %swap3A_1217 = vector.shape_cast %swap3A_1216 : vector<16xf32> to vector<16xf32>
    %swap3A_1218 = vector.shape_cast %add3A_1214 : vector<16xf32> to vector<16xf32>
    tpu.vector_store %arg14[%swap3A_1215], %swap3A_1218 {strides = array<i32>} : memref<16xf32, #tpu.memory_space<vmem>>, vector<16xf32>,
    "tpu.region"() ({
      %run_scoped3A = tpu.sem_alloc : memref<!tpu.dma_semaphore, #tpu.memory_space<semaphore_mem>>
      %dma_start3A_1219 = arith.constant 0 : i32
      %dma_start3A_1220 = tpu.memref_slice %arg6[%add3A, %dma_start3A_1219] : memref<32x16xf32, #tpu.memory_space<hbm>> -> memref<1x16xf32, #tpu.memory_space<hbm>>
      %dma_start3A_1221 = tpu.memref_squeeze %dma_start3A_1220 : memref<1x16xf32, #tpu.memory_space<hbm>> -> memref<16xf32, #tpu.memory_space<hbm>>
      %dma_start3A_1222 = arith.constant 0 : i32
      %dma_start3A_1223 = tpu.memref_slice %arg6[%add3A, %dma_start3A_1222] : memref<32x16xf32, #tpu.memory_space<hbm>> -> memref<1x16xf32, #tpu.memory_space<hbm>>
      %dma_start3A_1224 = tpu.memref_squeeze %dma_start3A_1223 : memref<1x16xf32, #tpu.memory_space<hbm>> -> memref<16xf32, #tpu.memory_space<hbm>>
      tpu.enqueue_dma source(%arg14 : memref<16xf32, #tpu.memory_space<vmem>>) target(%dma_start3A_1224 : memref<16xf32, #tpu.memory_space<hbm>>) target_semaphore(%run_scoped3A : memref<!tpu.dma_semaphore, #tpu.memory_space<semaphore_mem>>)
      %dma_wait3A_1225 = arith.constant 0 : i32
      %dma_wait3A_1226 = tpu.memref_slice %arg6[%add3A, %dma_wait3A_1225] : memref<32x16xf32, #tpu.memory_space<hbm>> -> memref<1x16xf32, #tpu.memory_space<hbm>>
      %dma_wait3A_1227 = tpu.memref_squeeze %dma_wait3A_1226 : memref<1x16xf32, #tpu.memory_space<hbm>> -> memref<16xf32, #tpu.memory_space<hbm>>
      %dma_wait3A_1228 = arith.constant 0 : i32
      %dma_wait3A_1229 = tpu.memref_slice %arg6[%add3A, %dma_wait3A_1228] : memref<32x16xf32, #tpu.memory_space<hbm>> -> memref<1x16xf32, #tpu.memory_space<hbm>>
      %dma_wait3A_1230 = tpu.memref_squeeze %dma_wait3A_1229 : memref<1x16xf32, #tpu.memory_space<hbm>> -> memref<16xf32, #tpu.memory_space<hbm>>
      tpu.wait_dma2 semaphore(%run_scoped3A : memref<!tpu.dma_semaphore, #tpu.memory_space<semaphore_mem>>) src(%arg14 : memref<16xf32, #tpu.memory_space<vmem>>) dst(%dma_wait3A_1230 : memref<16xf32, #tpu.memory_space<hbm>>)
      tpu.yield
    }) : () -> ()
    return
  }
}

module attributes {stable_mosaic.version = 14 : i64} {
  func.func @body(%arg0: memref<32x16xf32, #tpu.memory_space<vmem>>, %arg1: memref<1x1xf32, #tpu.memory_space<vmem>>) attributes {dimension_semantics = [], scalar_prefetch = 0 : i64, scratch_operands = 0 : i64, tpu.core_type = #tpu.core_type<tc>} {
    %get3A = arith.constant 0 : index
    %get3A_0 = arith.constant 0 : index
    %get3A_1 = vector.load %arg0[%get3A, %get3A_0] : memref<32x16xf32, #tpu.memory_space<vmem>>, vector<32x16xf32>
    %reduce_sum3A = vector.shape_cast %get3A_1 : vector<32x16xf32> to vector<1x32x16xf32>
    %reduce_sum3A_2 = arith.constant dense<0.000000e+00> : vector<1xf32>
    %reduce_sum3A_3 = vector.multi_reduction <add>, %reduce_sum3A, %reduce_sum3A_2 [1, 2] : vector<1x32x16xf32> to vector<1xf32>
    %reduce_sum3A_4 = vector.shape_cast %reduce_sum3A_3 : vector<1xf32> to vector<1x1x1xf32>
    %reduce_sum3A_5 = vector.extract %reduce_sum3A_4[0, 0, 0] : f32 from vector<1x1x1xf32>
    %mul3A = arith.constant -0.693147182 : f32
    %mul3A_6 = arith.mulf %mul3A, %reduce_sum3A_5 : f32
    %reshape3A = vector.broadcast %mul3A_6 : f32 to vector<1x1xf32>
    %swap3A = arith.constant 0 : index
    %swap3A_7 = arith.constant 0 : index
    %swap3A_8 = vector.load %arg1[%swap3A, %swap3A_7] : memref<1x1xf32, #tpu.memory_space<vmem>>, vector<1x1xf32>
    tpu.vector_store %arg1[%swap3A, %swap3A_7], %reshape3A {strides = array<i32>} : memref<1x1xf32, #tpu.memory_space<vmem>>, vector<1x1xf32>,
    return
  }
}

</mosaic_0001>

<sc_bundles>
// kernel: kernel.4.cloned.1.call-start
scs
__scs_entry_jumppad:
0x0: {  	(pc) =	sbr.rel $0x88, $3  }
0x1: {  	(tag) =	ssettag $0x0;
	lr =	simm.s32 $0x1  }
0x2: {  	[smem:$0x3F9D] =	sst lr;
	_ =	strace $0xD0000000  }
0x3: {  	_ = 	snop  }
0x4: {  	_ = 	snop  }
0x5: {  	_ = 	snop  }
0x6: {  	_ = 	snop  }
0x7: {  	_ = 	snop  }
__scs_overlays_trampoline_lowered:
0x8: {  	[smem:$0x3FAC] =	sst s0  }
0x9: {  	[smem:$0x3FAD] =	sst s1  }
0xa: {  	[smem:$0x3FAE] =	sst s2  }
0xb: {  	[smem:$0x3FAF] =	sst s3  }
0xc: {  	[smem:$0x3FB0] =	sst s4  }
0xd: {  	[smem:$0x3FB1] =	sst s5  }
0xe: {  	[smem:$0x3FB2] =	sst s6  }
0xf: {  	[smem:$0x3FB3] =	sst s7  }
0x10: {  	[smem:$0x3FB4] =	sst s8  }
0x11: {  	[smem:$0x3FB5] =	sst s9;
	s0 =	simm.s32 @!p0 $0x0  }
0x12: {  	s1 =	sld [smem:$0x3F9B];
	s0 =	simm.s32 @p0 $0x1  }
0x13: {  	[smem:$0x3FB6] =	sst s0;
	s0 =	simm.s32 @!p1 $0x0  }
0x14: {  	s2 =	sld [smem:$0x3F9A];
	s0 =	simm.s32 @p1 $0x1  }
0x15: {  	[smem:$0x3FB7] =	sst s0;
	s0 =	simm.s32 @!p2 $0x0  }
0x16: {  	s3 =	sld [smem:$0x3FDB];
	s0 =	simm.s32 @p2 $0x1  }
0x17: {  	s4 =	simm.s32 $0x1BF5;
	[smem:$0x3FB9] =	sst s0  }
0x18: {  	s0 =	sld [smem:$0x3F9C];
	_ =	swait.ge [sflag:s4], $0x0  }
0x19: {  	s7 =	sld [smem:$0x3F9D]  }
0x1a: {  	s8 =	sadd.s32 $0xFFFFE003, lr  }
0x1b: {  	s9 =	sadd.s32 $0xFFFFFEF7, lr;
	s5 =	simm.s32 $0xFFFFFFFF;
	p2 =	slt.u32 s8, $0xFFFFF086  }
0x1c: {  	p1 =	slt.u32 s9, $0xF7A;
	s5 =	simm.s32 @!p2 $0x0  }
0x1d: {  	s5 =	simm.s32 @p1 $0x1;
	p0 =	seq.s32 s7, s2  }
0x1e: {  	s7 =	smul.u32 @!p0 $0xF7A, s2;
	p2 =	seq.s32 @!p0 s5, $0x0  }
0x1f: {  	s9 =	smul.u32 $0xF7A, s1;
	s8 =	simm.s32 @!p0 $0x1BF5;
	p2 =	por !p2, p0  }
0x20: {  	[sflag:s8] =	ssyncset.s32 @!p0 $0xFFFFF086;
	s6 =	sadd.s32 @!p0 s3, s7;
	s7 =	simm.s32 @!p0 $0x108  }
0x21: {  	s3 =	sadd.s32 s3, s9;
	s6 =	sadd.s32 @!p0 $0x88, s6;
	s7 =	simm.s32 @p2 $0x1082  }
0x22: {  	[simem:s7], [sflag:s8] =	dma.local @!p0 [hbm:s6], $0xF7A  }
0x23: {  	s9 =	sor.u32 $0xD0000000, s2;
	s6 =	simm.s32 $0x108;
	_ =	swait.ge @!p0 [sflag:s8], $0x0  }
0x24: {  	s3 =	sadd.s32 $0x88, s3;
	s6 =	simm.s32 @!p1 $0x1082;
	[sflag:s4] =	ssyncset.s32 $0xFFFFF086  }
0x25: {  	[simem:s6], [sflag:s4] =	dma.local [hbm:s3], $0xF7A  }
0x26: {  	[smem:$0x3F9D] =	sst s1;
	(tag) =	ssettag s2;
	_ =	strace s9  }
0x27: {  	s1 =	sld [smem:$0x3FAD]  }
0x28: {  	s2 =	sld [smem:$0x3FAE]  }
0x29: {  	s4 =	sld [smem:$0x3FB0]  }
0x2a: {  	p0 =	seq.s32 s5, $0x0;
	s5 =	sld [smem:$0x3FB1]  }
0x2b: {  	s6 =	sld [smem:$0x3FB2]  }
0x2c: {  	s7 =	sld [smem:$0x3FB3]  }
0x2d: {  	s3 =	simm.s32 $0x108;
	s8 =	sld [smem:$0x3FB4]  }
0x2e: {  	s3 =	simm.s32 @!p0 $0x1082;
	s9 =	sld [smem:$0x3FB5]  }
0x2f: {  	lr =	sadd.s32 s0, s3;
	s0 =	sld [smem:$0x3FAC]  }
0x30: {  	s3 =	sld [smem:$0x3FAF]  }
0x31: {  	[smem:$0x3FB8] =	sst s10  }
0x32: {  	s10 =	sld [smem:$0x3FB6];
	_ =	sdelay $0x3  }
0x33: {  	p0 =	seq.s32 s10, $0x1;
	s10 =	sld [smem:$0x3FB8];
	_ =	sdelay $0x3  }
0x34: {  	[smem:$0x3FB8] =	sst s10  }
0x35: {  	s10 =	sld [smem:$0x3FB7];
	_ =	sdelay $0x3  }
0x36: {  	p1 =	seq.s32 s10, $0x1;
	s10 =	sld [smem:$0x3FB8];
	_ =	sdelay $0x3  }
0x37: {  	[smem:$0x3FB8] =	sst s10  }
0x38: {  	s10 =	sld [smem:$0x3FB9]  }
0x39: {  	_ = 	snop;
	(pc) =	sbr.ind lr, $3  }
0x3a: {  	_ = 	snop  }
0x3b: {  	_ = 	snop  }
0x3c: {  	p2 =	seq.s32 s10, $0x1;
	s10 =	sld [smem:$0x3FB8]  }
0x3d: {  	_ =	shalt  }
0x3e: {  	_ =	shalt  }
0x3f: {  	_ =	shalt  }
0x40: {  	_ =	shalt  }
0x41: {  	_ =	shalt  }
0x42: {  	_ =	shalt  }
0x43: {  	_ =	shalt  }
0x44: {  	_ =	shalt  }
0x45: {  	_ =	shalt  }
0x46: {  	_ =	shalt  }
0x47: {  	_ =	shalt  }
0x48: {  	_ =	shalt  }
0x49: {  	_ =	shalt  }
0x4a: {  	_ =	shalt  }
0x4b: {  	_ =	shalt  }
0x4c: {  	_ =	shalt  }
0x4d: {  	_ =	shalt  }
0x4e: {  	_ =	shalt  }
0x4f: {  	_ =	shalt  }
0x50: {  	_ =	shalt  }
0x51: {  	_ =	shalt  }
0x52: {  	_ =	shalt  }
0x53: {  	_ =	shalt  }
0x54: {  	_ =	shalt  }
0x55: {  	_ =	shalt  }
0x56: {  	_ =	shalt  }
0x57: {  	_ =	shalt  }
0x58: {  	_ =	shalt  }
0x59: {  	_ =	shalt  }
0x5a: {  	_ =	shalt  }
0x5b: {  	_ =	shalt  }
0x5c: {  	_ =	shalt  }
0x5d: {  	_ =	shalt  }
0x5e: {  	_ =	shalt  }
0x5f: {  	_ =	shalt  }
0x60: {  	_ =	shalt  }
0x61: {  	_ =	shalt  }
0x62: {  	_ =	shalt  }
0x63: {  	_ =	shalt  }
0x64: {  	_ =	shalt  }
0x65: {  	_ =	shalt  }
0x66: {  	_ =	shalt  }
0x67: {  	_ =	shalt  }
0x68: {  	_ =	shalt  }
0x69: {  	_ =	shalt  }
0x6a: {  	_ =	shalt  }
0x6b: {  	_ =	shalt  }
0x6c: {  	_ =	shalt  }
0x6d: {  	_ =	shalt  }
0x6e: {  	_ =	shalt  }
0x6f: {  	_ =	shalt  }
0x70: {  	_ =	shalt  }
0x71: {  	_ =	shalt  }
0x72: {  	_ =	shalt  }
0x73: {  	_ =	shalt  }
0x74: {  	_ =	shalt  }
0x75: {  	_ =	shalt  }
0x76: {  	_ =	shalt  }
0x77: {  	_ =	shalt  }
0x78: {  	_ =	shalt  }
0x79: {  	_ =	shalt  }
0x7a: {  	_ =	shalt  }
0x7b: {  	_ =	shalt  }
0x7c: {  	_ =	shalt  }
0x7d: {  	_ =	shalt  }
0x7e: {  	_ =	shalt  }
0x7f: {  	_ =	shalt  }
0x80: {  	_ =	shalt  }
0x81: {  	_ =	shalt  }
0x82: {  	_ =	shalt  }
0x83: {  	_ =	shalt  }
0x84: {  	_ =	shalt  }
0x85: {  	_ =	shalt  }
0x86: {  	_ =	shalt  }
0x87: {  	_ =	shalt  }
.Lfunc_end0:
.L_simem_size_0:
called_computation_lowered:
.L_overlay_start_0:
0x88: {  	s2 =	sld [smem:$0x3FD9]  }
0x89: {  	s3 =	sld [smem:$0x3FFE];
	_ =	sdelay $0x1  }
0x8a: {  	s1 =	srdreg.scid  }
0x8b: {  	s0 =	sand.u32 $0x1, s1  }
0x8c: {  	s17 =	sshll.u32 s0, $0xA;
	s2 =	sadd.s32 s3, s2  }
0x8d: {  	s2 =	sadd.s32 s2, s17  }
0x8e: {  	[smem:$0x3FC4] =	sst s2  }
0x8f: {  	_ = 	snop  }
0x90: {  	s2 =	sld [smem:$0x3FC9]  }
0x91: {  	s18 =	sld [smem:$0x3FC8]  }
0x92: {  	s4 =	sld [smem:$0x3FC7]  }
0x93: {  	s5 =	sld [smem:$0x3FC6];
	(tm) =	ssettm $0x1  }
0x94: {  	s6 =	sld [smem:$0x3FFB];
	_ =	sdelay $0x3  }
0x95: {  	_ =	strace s6  }
0x96: {  	s6 =	sld [smem:$0x3FFC];
	_ =	sdelay $0x3  }
0x97: {  	_ =	strace s6  }
0x98: {  	s6 =	sld [smem:$0x3FFD];
	_ =	sdelay $0x3  }
0x99: {  	_ =	strace s6  }
0x9a: {  	_ =	strace $0x8FFFFFFF  }
0x9b: {  	s19 =	sld [smem:$0x3FDB];
	_ =	sdelay $0x1  }
0x9c: {  	s7 =	simm.s32 $_scs_section_size  }
0x9d: {  	s8 =	simm.s32 $_size__tile_overlayer_lowered;
	s9 =	simm.s32 $_tile_overlayer_lowered  }
0x9e: {  	s22 =	simm.s32 $0x1BFF;
	s21 =	sshll.u32 s9, $0x1;
	s6 =	sadd.s32 s7, s19  }
0x9f: {  	s10 =	simm.s32 $0x0;
	s20 =	sshll.u32 s8, $0x1;
	s8 =	sadd.s32 s21, s6  }
0xa0: {  	[timem:s10], [sflag:s22] =	dma.local [hbm:s8], s20  }
0xa1: {  	_ =	swait.ge [sflag:s22], s20  }
0xa2: {  	s7 =	ssub.s32 $0x0, s20;
	[sflag:s22] =	ssyncset.done $0x0  }
0xa3: {  	[sflag:s22] =	ssyncadd.s32 s7;
	_ =	sdelay $0x1  }
0xa4: {  	s23 =	simm.s32 $0x1B8B  }
0xa5: {  	_ =	swait.ge [sflag:s23], $0x1  }
0xa6: {  	[sflag:s23] =	ssyncset.done $0x0  }
0xa7: {  	s25 =	simm.s32 $0x1B8E;
	s24 =	sld [smem:$0x3FFE];
	[sflag:s23] =	ssyncadd.s32 $0xFFFFFFFF  }
0xa8: {  	s26 =	simm.s32 $execute0_lowered;
	[smem:$0x3FD2] =	sst s25  }
0xa9: {  	s8 =	sshll.u32 s26, $0x1;
	_ =	strace $0x80000046;
	[dreg:$0x1] =	wrdreg $0xFFFFFFFF  }
0xaa: {  	s28 =	simm.s32 $_size_execute0_lowered;
	s6 =	sadd.s32 s6, s8;
	[dreg:$0x0] =	wrdreg $0x0  }
0xab: {  	s8 =	sshll.u32 s28, $0x1;
	[dreg:$0x2] =	wrdreg s6  }
0xac: {  	[dreg:$0x3] =	wrdreg s8  }
0xad: {  	[dreg:$0x4] =	wrdreg $0xC0  }
0xae: {  	_ =	task [dreg:s10], $0x5FFFF  }
0xaf: {  	[dreg:$0x1] =	wrdreg $0xFFFFFFFF  }
0xb0: {  	[dreg:$0x0] =	wrdreg $0x60  }
0xb1: {  	[dreg:$0x2] =	wrdreg s2  }
0xb2: {  	[dreg:$0x3] =	wrdreg s18  }
0xb3: {  	[dreg:$0x4] =	wrdreg s4  }
0xb4: {  	[dreg:$0x5] =	wrdreg s5  }
0xb5: {  	[dreg:$0x6] =	wrdreg s24  }
0xb6: {  	[dreg:$0x7] =	wrdreg $0x9  }
0xb7: {  	_ =	task.clear_ibuf [dreg:s10], $0x8FFFF;
	_ =	strace $0x90000046  }
0xb8: {  	s29 =	simm.s32 $0x9;
	_ =	strace $0x80000048  }
0xb9: {  	_ =	swait.ge [sflag:s29], $0x1  }
0xba: {  	[sflag:s29] =	ssyncadd.s32 $0xFFFFFFFF  }
0xbb: {  	_ =	strace $0x90000048  }
0xbc: {  	_ =	sfence  }
0xbd: {  	s30 =	sld [smem:$0x0];
	_ =	sdelay $0x2  }
0xbe: {  	s31 =	sshll.u32 s1, $0xD;
	s1 =	sshrl.u32 s1, $0x2  }
0xbf: {  	s3 =	sand.u32 $0x4000, s31;
	s1 =	sadd.s32 s1, s30  }
0xc0: {  	s0 =	sor.u32 s3, s0;
	s1 =	sshll.u32 s1, $0x11  }
0xc1: {  	s0 =	sor.u32 s1, s0  }
0xc2: {  	s0 =	sadd.s32 $0x8F2B, s0  }
0xc3: {  	[sflag:s0] =	ssyncadd.remote.s32 $0x1  }
0xc4: {  	_ =	sfence.sel $0xFFFF  }
0xc5: {  	[dreg:$0x0] =	wrdreg $0xFFFFFFFF;
	(pc) =	sbr.abs _section_cstart, $3  }
0xc6: {  	[dreg:$0x1] =	wrdreg $0xFFFFFFFF  }
0xc7: {  	_ =	task.clear_ibuf [dreg:s10], $0x2FFFF;
	_ =	strace $0x9FFFFFFF  }
0xc8: {  	(tm) =	ssettm $0x7FFFFFFF  }
0xc9: {  	_ =	shalt  }
tec
execute0_lowered:
.L_overlay_start_1:
0x0: {  	(tag) =	ssettag $0x1  }
0x1: {  	s1 =	srdreg.scid;
	s0 =	stileid.u32;
	v0 =	vlaneseq.u32  }
0x2: {  	s4 =	sand.u32 $0x1, s1;
	s29 =	sshll.u32 s0, $0x1;
	v10 =	vmul.u32 $0x4, v0  }
0x3: {  	s30 =	sshll.u32 s0, $0x8;
	s5 =	sor.u32 s4, s29  }
0x4: {  	s1 =	sor.u32 s30, s5;
	v2 =	vor.u32 $0x40, v10  }
0x5: {  	v3 =	vor.u32 $0x80, v10;
	v6 =	vor.u32 $0xC0, v10;
	v7 =	vor.u32 $0x100, v10;
	s6 =	sand.u32 $0xE03, s1  }
0x6: {  	v11 =	vor.u32 $0x140, v10;
	v13 =	vor.u32 $0x180, v10;
	v0 =	vor.u32 s6, v10  }
0x7: {  	v2 =	vor.u32 s6, v2;
	v3 =	vor.u32 s6, v3;
	v6 =	vor.u32 s6, v6  }
0x8: {  	v7 =	vor.u32 s6, v7;
	v11 =	vor.u32 s6, v11;
	v13 =	vor.u32 s6, v13  }
0x9: {  	v10 =	vor.u32 $0x1C0, v10;
	v1 =	vshrl.u32 v0, $0x3;
	v0 =	vshll.u32 v0, $0x7  }
0xa: {  	v5 =	vshrl.u32 v3, $0x3;
	v8 =	vshrl.u32 v6, $0x3;
	v6 =	vshll.u32 v6, $0x7  }
0xb: {  	v9 =	vshrl.u32 v7, $0x3;
	v7 =	vshll.u32 v7, $0x7;
	v12 =	vshrl.u32 v11, $0x3  }
0xc: {  	v11 =	vshll.u32 v11, $0x7;
	v14 =	vshrl.u32 v13, $0x3;
	v10 =	vor.u32 s6, v10  }
0xd: {  	v13 =	vshll.u32 v13, $0x7;
	v1 =	vmul.u32 $0x40800, v1;
	v0 =	vand.u32 $0x380, v0  }
0xe: {  	s7 =	rddreg [dreg:$0x1];
	v8 =	vmul.u32 $0x40800, v8;
	v6 =	vand.u32 $0x380, v6;
	v9 =	vmul.u32 $0x40800, v9  }
0xf: {  	s8 =	rddreg [dreg:$0x2];
	v12 =	vmul.u32 $0x40800, v12;
	v11 =	vand.u32 $0x380, v11;
	v15 =	vshrl.u32 v10, $0x3  }
0x10: {  	s9 =	rddreg [dreg:$0x3];
	v14 =	vmul.u32 $0x40800, v14;
	v16 =	vshll.u32 v10, $0x7;
	v15 =	vmul.u32 $0x40800, v15  }
0x11: {  	s10 =	rddreg [dreg:$0x4];
	v0 =	vor.u32 v0, v1;
	v1 =	vshrl.u32 v2, $0x3;
	v2 =	vshll.u32 v2, $0x7  }
0x12: {  	s2 =	rddreg [dreg:$0x5];
	s3 =	simm.s32 $0x0;
	s13 =	simm.s32 $0x280;
	v6 =	vor.u32 v6, v8;
	v8 =	vand.u32 $0x380, v7;
	v10 =	vor.u32 v11, v12  }
0x13: {  	s14 =	simm.s32 $0x200;
	s15 =	simm.s32 $0x300;
	s16 =	simm.s32 $0x380;
	v12 =	vand.u32 $0x380, v13;
	v13 =	vand.u32 $0x380, v16;
	v16 =	vimm.s32 $0xFFFFFF81  }
0x14: {  	s17 =	simm.s32 $0x2;
	[smem:$0x7FF] =	sst s3;
	s4 =	ssub.s32 $0x2, s4;
	v4 =	vmul.u32 $0x40800, v1;
	v1 =	vadd.s32 $0x3E800, v0;
	v2 =	vand.u32 $0x380, v2  }
0x15: {  	s11 =	sshll.u32 s5, $0x4;
	s31 =	sshrl.u32 s4, $0x1;
	s1 =	rddreg [dreg:$0x0];
	v7 =	vadd.s32 $0x3E800, v6;
	v8 =	vor.u32 v8, v9;
	v11 =	vadd.s32 $0x3E800, v10  }
0x16: {  	_ =	strace $0x80000047;
	s10 =	sadd.s32 s11, s10;
	s12 =	ssub.s32 s4, s31;
	v2 =	vor.u32 v2, v4;
	v4 =	vmul.u32 $0x40800, v5;
	v5 =	vshll.u32 v3, $0x7  }
0x17: {  	s4 =	sadd.s32 s7, s11;
	s5 =	sadd.s32 s8, s11;
	s7 =	sadd.s32 $0x600, s10;
	v12 =	vor.u32 v12, v14;
	v13 =	vor.u32 v13, v15;
	v5 =	vand.u32 $0x380, v5  }
0x18: {  	s8 =	smax.u32 s12, $0x1;
	s10 =	simm.s32 $0x100;
	s12 =	simm.s32 $0x180;
	v9 =	vadd.s32 $0x3E800, v8;
	v14 =	vadd.s32 $0x3E800, v12;
	v4 =	vor.u32 v5, v4  }
0x19: {  	s6 =	sadd.s32 s9, s11;
	s9 =	simm.s32 $0x80;
	s11 =	simm.s32 $0x1;
	v15 =	vadd.s32 $0x3E800, v13;
	v3 =	vadd.s32 $0x3E800, v2;
	v5 =	vadd.s32 $0x3E800, v4  }
.LBB2_1:
0x1a: {  	[tilespmem:s3], [sflag:$0x1] =	stream.linear.gather [hbm4b:s4+s3], $0x80, $0x38;
	[tilespmem:$0x400] =	vst v63  }
0x1b: {  	_ = 	snop  }
0x1c: {  	[tilespmem:s9], [sflag:$0x1] =	stream.linear.gather [hbm4b:s5+s3], $0x80, $0x38;
	[tilespmem:$0x400] =	vst v63  }
0x1d: {  	_ = 	snop  }
0x1e: {  	[tilespmem:s10], [sflag:$0x1] =	stream.linear.gather [hbm4b:s6+s3], $0x80, $0x38;
	[tilespmem:$0x400] =	vst v63  }
0x1f: {  	_ =	swait.ge [sflag:s11], $0x80  }
0x20: {  	[sflag:s11] =	ssyncset.done $0x0  }
0x21: {  	[sflag:s11] =	ssyncadd.s32 $0xFFFFFF80  }
0x22: {  	_ =	swait.ge [sflag:s11], $0x80  }
0x23: {  	[sflag:s11] =	ssyncset.done $0x0  }
0x24: {  	[sflag:s11] =	ssyncadd.s32 $0xFFFFFF80  }
0x25: {  	v17 =	vld [tilespmem:$0x0]  }
0x26: {  	v18 =	vld [tilespmem:$0x80]  }
0x27: {  	v19 =	vld [tilespmem:$0x10]  }
0x28: {  	v21 =	vld [tilespmem:$0x90]  }
0x29: {  	v22 =	vld [tilespmem:$0x20]  }
0x2a: {  	v25 =	vld [tilespmem:$0xA0]  }
0x2b: {  	v45 =	vld [tilespmem:$0x30]  }
0x2c: {  	v27 =	vld [tilespmem:$0xB0]  }
0x2d: {  	v28 =	vld [tilespmem:$0x40]  }
0x2e: {  	v52 =	vld [tilespmem:$0xC0]  }
0x2f: {  	v29 =	vld [tilespmem:$0x50];
	v20 =	vshll.u32 v17, $0x3  }
0x30: {  	v57 =	vld [tilespmem:$0xD0];
	v17 =	vand.u32 $0x7F, v17;
	v23 =	vshll.u32 v18, $0x3;
	v18 =	vand.u32 $0x7F, v18  }
0x31: {  	v59 =	vld [tilespmem:$0x60];
	v24 =	vshll.u32 v19, $0x3;
	v19 =	vand.u32 $0x7F, v19;
	v46 =	vshll.u32 v21, $0x3  }
0x32: {  	v32 =	vld [tilespmem:$0xE0];
	v26 =	vshll.u32 v22, $0x3;
	v21 =	vand.u32 $0x7F, v21;
	v22 =	vand.u32 $0x7F, v22  }
0x33: {  	v49 =	vshll.u32 v25, $0x3;
	v50 =	vand.u32 $0x7F, v25;
	v51 =	vshll.u32 v45, $0x3  }
0x34: {  	v54 =	vshll.u32 v27, $0x3;
	v27 =	vand.u32 $0x7F, v27;
	v30 =	vshll.u32 v28, $0x3  }
0x35: {  	v60 =	vshll.u32 v52, $0x3;
	v61 =	vshll.u32 v29, $0x3;
	v63 =	vand.u32 $0x7F, v52  }
0x36: {  	v35 =	vand.u32 $0x7F, v29;
	v38 =	vand.u32 $0x7F, v57;
	v39 =	vshll.u32 v59, $0x3  }
0x37: {  	v42 =	vshll.u32 v32, $0x3;
	v43 =	vand.u32 $0x7F, v32;
	v20 =	vand.u32 $0xFFFFFC00, v20  }
0x38: {  	v23 =	vand.u32 $0xFFFFFC00, v23;
	v18 =	vor.u32 v18, v1;
	v24 =	vand.u32 $0xFFFFFC00, v24  }
0x39: {  	v26 =	vand.u32 $0xFFFFFC00, v26;
	v21 =	vor.u32 v21, v3;
	v25 =	vand.u32 $0xFFFFFC00, v51  }
0x3a: {  	v55 =	vor.u32 v27, v7;
	v56 =	vand.u32 $0xFFFFFC00, v30;
	v62 =	vand.u32 $0xFFFFFC00, v60  }
0x3b: {  	v31 =	vand.u32 $0xFFFFFC00, v61;
	v20 =	vadd.s32 v0, v20;
	v18 =	vadd.s32 v23, v18  }
0x3c: {  	v33 =	vor.u32 v63, v9;
	v44 =	vadd.s32 v2, v24;
	v17 =	vor.u32 v17, v20;
	[tilespmem:$0x200] =	vst v18  }
0x3d: {  	v36 =	vld [tilespmem:$0x70];
	v40 =	vand.u32 $0xFFFFFC00, v39;
	v24 =	vand.u32 $0xFFFFFC00, v46;
	v19 =	vor.u32 v19, v44;
	[tilespmem:$0x180] =	vst v17  }
0x3e: {  	v26 =	vadd.s32 v4, v26;
	v53 =	vadd.s32 v6, v25;
	v47 =	vadd.s32 v24, v21;
	[tilespmem:$0x190] =	vst v19  }
0x3f: {  	v23 =	vand.u32 $0x7F, v45;
	v58 =	vadd.s32 v8, v56;
	v48 =	vor.u32 v22, v26;
	[tilespmem:$0x210] =	vst v47  }
0x40: {  	v34 =	vadd.s32 v10, v31;
	v45 =	vor.u32 v43, v14;
	v18 =	vor.u32 v23, v53;
	[tilespmem:$0x1A0] =	vst v48  }
0x41: {  	v22 =	vand.u32 $0xFFFFFC00, v49;
	v24 =	vor.u32 v50, v5;
	v20 =	vadd.s32 v62, v33;
	[tilespmem:$0x1B0] =	vst v18  }
0x42: {  	v41 =	vld [tilespmem:$0xF0];
	v37 =	vor.u32 v35, v34;
	v44 =	vshll.u32 v36, $0x3;
	v22 =	vadd.s32 v22, v24;
	[tilespmem:$0x240] =	vst v20  }
0x43: {  	v17 =	vand.u32 $0xFFFFFC00, v54;
	v19 =	vand.u32 $0x7F, v28;
	v18 =	vshll.u32 v57, $0x3;
	[tilespmem:$0x1D0] =	vst v37  }
0x44: {  	v20 =	vand.u32 $0xFFFFFC00, v42;
	v46 =	vand.u32 $0xFFFFFC00, v44;
	v17 =	vadd.s32 v17, v55;
	[tilespmem:$0x220] =	vst v22  }
0x45: {  	v19 =	vor.u32 v19, v58;
	[tilespmem:$0x230] =	vst v17;
	v17 =	vand.u32 $0xFFFFFC00, v18;
	v18 =	vor.u32 v38, v11  }
0x46: {  	[tilespmem:$0x1C0] =	vst v19;
	v19 =	vand.u32 $0x7F, v59;
	v17 =	vadd.s32 v17, v18;
	v18 =	vadd.s32 v12, v40  }
0x47: {  	v47 =	vshll.u32 v41, $0x3;
	v48 =	vand.u32 $0x7F, v41;
	[tilespmem:$0x250] =	vst v17;
	v17 =	vor.u32 v19, v18  }
0x48: {  	v18 =	vadd.s32 v20, v45;
	v19 =	vadd.s32 v13, v46;
	[tilespmem:$0x1E0] =	vst v17;
	v17 =	vand.u32 $0x7F, v36  }
0x49: {  	[tilespmem:$0x260] =	vst v18;
	v18 =	vand.u32 $0xFFFFFC00, v47;
	v17 =	vor.u32 v17, v19;
	v19 =	vor.u32 v48, v15  }
0x4a: {  	[tilespmem:$0x1F0] =	vst v17;
	v17 =	vadd.s32 v18, v19  }
0x4b: {  	[tilespmem:$0x270] =	vst v17  }
0x4c: {  	[tilespmem:s13], [sflag:$0x1] =	stream.indirect.gather [hbm4b:s1+s9], $0x1, s12, s9, $0xb8;
	[tilespmem:$0x400] =	vst v63  }
0x4d: {  	_ = 	snop  }
0x4e: {  	[tilespmem:s15], [sflag:$0x1] =	stream.indirect.gather [hbm4b:s1+s9], $0x1, s14, s9, $0xb8;
	[tilespmem:$0x400] =	vst v63  }
0x4f: {  	_ =	swait.ge [sflag:s11], $0x80  }
0x50: {  	[sflag:s11] =	ssyncset.done $0x0  }
0x51: {  	[sflag:s11] =	ssyncadd.s32 $0xFFFFFF80  }
0x52: {  	_ =	swait.ge [sflag:s11], $0x80  }
0x53: {  	[sflag:s11] =	ssyncset.done $0x0  }
0x54: {  	[sflag:s11] =	ssyncadd.s32 $0xFFFFFF80  }
0x55: {  	_ =	swait.ge [sflag:s11], $0x80  }
0x56: {  	[sflag:s11] =	ssyncset.done $0x0  }
0x57: {  	[sflag:s11] =	ssyncadd.s32 $0xFFFFFF80  }
0x58: {  	v17 =	vld [tilespmem:$0x300]  }
0x59: {  	v18 =	vld [tilespmem:$0x80]  }
0x5a: {  	v19 =	vld [tilespmem:$0x0]  }
0x5b: {  	v49 =	vld [tilespmem:$0x280];
	_ =	sdelay $0x1  }
0x5c: {  	v50 =	vld [tilespmem:$0x100];
	v17 =	vadd.f32 $9.999999680e-21, v17  }
0x5d: {  	vm0 =	veq.s32 v18, $0x0  }
0x5e: {  	v18 =	vsel vm0, $0x1E3CE508, v17  }
0x5f: {  	vm1 =	vne.s32 v19, $0x0;
	v18 =	vadd.f32 v18, v49  }
0x60: {  	vm0 =	vmor vm1, vm0  }
0x61: {  	v52 =	vld [tilespmem:$0x90];
	vm8 =	veq.s32 v50, $0x1;
	v17 =	vsel vm0, v18, v17  }
0x62: {  	v53 =	vld [tilespmem:$0x10];
	v19 =	vsel vm8, $0x3F800000, v17  }
0x63: {  	v54 =	vld [tilespmem:$0x290];
	v17 =	vand.u32 $0x7FFFFF, v19  }
0x64: {  	v18 =	vld [tilespmem:$0x310];
	v17 =	vor.u32 $0x3F800000, v17  }
0x65: {  	v56 =	vld [tilespmem:$0x110];
	v51 =	vmul.f32 $5.000000000e-01, v17  }
0x66: {  	v60 =	vld [tilespmem:$0xA0];
	vm9 =	vge.f32 v17, $1.414213540e+00  }
0x67: {  	v62 =	vld [tilespmem:$0x20];
	v17 =	vsel vm9, v51, v17  }
0x68: {  	v32 =	vld [tilespmem:$0x120];
	v55 =	vadd.f32 $1.000000000e+00, v17  }
0x69: {  	v34 =	vld [tilespmem:$0x330];
	v18 =	vadd.f32 $9.999999680e-21, v18  }
0x6a: {  	v35 =	vld [tilespmem:$0xB0];
	vm10 =	veq.s32 v52, $0x0;
	(erf) = vrcp.f32 v55  }
0x6b: {  	v36 =	vld [tilespmem:$0x30];
	v21 =	vsel vm10, $0x1E3CE508, v18  }
0x6c: {  	v43 =	vld [tilespmem:$0x340];
	vm2 =	vne.s32 v53, $0x0;
	v20 =	vadd.f32 v21, v54  }
0x6d: {  	v58 =	vld [tilespmem:$0x320];
	vm1 =	vmor vm2, vm10  }
0x6e: {  	v37 =	vld [tilespmem:$0x2B0];
	vm11 =	veq.s32 v56, $0x1;
	vm12 =	veq.s32 v60, $0x0;
	v18 =	vsel vm1, v20, v18  }
0x6f: {  	vm3 =	vne.s32 v62, $0x0;
	vm14 =	veq.s32 v35, $0x0;
	v35 =	vld [tilespmem:$0x360];
	v57 =	vsel vm11, $0x3F800000, v18  }
0x70: {  	vm13 =	veq.s32 v32, $0x1;
	v28 =	vadd.f32 $9.999999680e-21, v34;
	v62 =	vld [tilespmem:$0xE0];
	v18 =	vand.u32 $0x7FFFFF, v57  }
0x71: {  	v39 =	vld [tilespmem:$0x130];
	vm4 =	vne.s32 v36, $0x0;
	v25 =	vadd.f32 $9.999999680e-21, v43;
	v18 =	vor.u32 $0x3F800000, v18  }
0x72: {  	vm2 =	vmor vm3, vm12;
	v17 =	vadd.f32 $-1.000000000e+00, v17;
	v59 =	vmul.f32 $5.000000000e-01, v18  }
0x73: {  	v46 =	vld [tilespmem:$0xC0];
	v41 =	vsel vm14, $0x1E3CE508, v28;
	vm3 =	vmor vm4, vm14;
	vm1 =	vge.f32 v18, $1.414213540e+00;
	v61 =	vpop (erf)  }
0x74: {  	v42 =	vadd.f32 v41, v37;
	v24 =	vmul.f32 v61, v17;
	v17 =	vsel vm1, v59, v18;
	v18 =	vld [tilespmem:$0x2A0]  }
0x75: {  	v47 =	vld [tilespmem:$0x40];
	v43 =	vadd.f32 $9.999999680e-21, v35;
	vm14 =	veq.s32 v62, $0x0;
	v22 =	vadd.f32 $1.000000000e+00, v17  }
0x76: {  	vm8 =	veq.s32 v39, $0x1;
	v51 =	vld [tilespmem:$0x140];
	v20 =	vadd.f32 $9.999999680e-21, v58;
	v63 =	vmul.f32 v24, v24  }
0x77: {  	v19 =	vshra.s32 v19, $0x17;
	v48 =	vsel vm9, $0xFFFFFF82, v16;
	(erf) = vrcp.f32 v22  }
0x78: {  	v56 =	vld [tilespmem:$0xD0];
	v19 =	vadd.s32 v19, v48;
	v23 =	vsel vm12, $0x1E3CE508, v20;
	v33 =	vmul.f32 $1.428571490e-01, v63  }
0x79: {  	vm9 =	veq.s32 v46, $0x0;
	v19 =	vcvt.s32.f32 v19;
	v18 =	vadd.f32 v23, v18  }
0x7a: {  	v53 =	vld [tilespmem:$0x50];
	vm10 =	vne.s32 v47, $0x0;
	v47 =	vsel vm14, $0x1E3CE508, v43;
	v22 =	vadd.f32 $2.000000030e-01, v33  }
0x7b: {  	vm11 =	veq.s32 v51, $0x1;
	v21 =	vshra.s32 v57, $0x17;
	v18 =	vsel vm2, v18, v20  }
0x7c: {  	v58 =	vsel vm1, $0xFFFFFF82, v16;
	v22 =	vmul.f32 v22, v63;
	v18 =	vsel vm13, $0x3F800000, v18  }
0x7d: {  	vm12 =	veq.s32 v56, $0x0;
	v21 =	vadd.s32 v21, v58;
	v38 =	vand.u32 $0x7FFFFF, v18  }
0x7e: {  	v21 =	vcvt.s32.f32 v21;
	v33 =	vld [tilespmem:$0x2C0];
	v22 =	vadd.f32 $3.333333430e-01, v22;
	v27 =	vor.u32 $0x3F800000, v38  }
0x7f: {  	v61 =	vld [tilespmem:$0x60];
	v17 =	vadd.f32 $-1.000000000e+00, v17;
	vm13 =	vne.s32 v53, $0x0;
	v40 =	vmul.f32 $5.000000000e-01, v27  }
0x80: {  	v18 =	vshra.s32 v18, $0x17;
	vm15 =	vge.f32 v27, $1.414213540e+00;
	v31 =	vpop (erf);
	v22 =	vmul.f32 v22, v63  }
0x81: {  	v20 =	vmul.f32 v31, v17;
	v23 =	vsel vm15, v40, v27;
	v17 =	vsel vm3, v42, v28  }
0x82: {  	v28 =	vsel vm9, $0x1E3CE508, v25;
	vm3 =	vmor vm10, vm9;
	v27 =	vadd.f32 $1.000000000e+00, v23  }
0x83: {  	v60 =	vld [tilespmem:$0x150];
	v17 =	vsel vm8, $0x3F800000, v17;
	v22 =	vadd.f32 $1.000000000e+00, v22;
	v28 =	vadd.f32 v28, v33  }
0x84: {  	vm8 =	vne.s32 v61, $0x0;
	v45 =	vand.u32 $0x7FFFFF, v17;
	(erf) = vrcp.f32 v27  }
0x85: {  	v42 =	vld [tilespmem:$0xF0];
	v44 =	vmul.f32 v20, v20;
	vm2 =	vmor vm8, vm14;
	v27 =	vor.u32 $0x3F800000, v45  }
0x86: {  	v54 =	vld [tilespmem:$0x350];
	v22 =	vmul.f32 v22, v24;
	v25 =	vsel vm3, v28, v25;
	vm3 =	vmor vm13, vm12  }
0x87: {  	v37 =	vld [tilespmem:$0x2E0];
	v45 =	vsel vm15, $0xFFFFFF82, v16;
	v49 =	vmul.f32 $1.428571490e-01, v44;
	v32 =	vmul.f32 $5.000000000e-01, v27  }
0x88: {  	vm15 =	veq.s32 v60, $0x1;
	vm0 =	vge.f32 v27, $1.414213540e+00;
	v22 =	vmul.f32 $2.885390040e+00, v22  }
0x89: {  	v48 =	vld [tilespmem:$0x160];
	v18 =	vadd.s32 v18, v45;
	v50 =	vadd.f32 $2.000000030e-01, v49;
	v27 =	vsel vm0, v32, v27  }
0x8a: {  	v57 =	vld [tilespmem:$0x2D0];
	vm9 =	veq.s32 v42, $0x0;
	v52 =	vadd.f32 $1.000000000e+00, v27;
	v22 =	vadd.f32 v19, v22  }
0x8b: {  	v49 =	vld [tilespmem:$0x170];
	v19 =	vadd.f32 $-1.000000000e+00, v23;
	v23 =	vadd.f32 $9.999999680e-21, v54;
	v24 =	vmul.f32 v50, v44  }
0x8c: {  	v18 =	vcvt.s32.f32 v18;
	v32 =	vadd.f32 v47, v37;
	(erf) = vrcp.f32 v52  }
0x8d: {  	v27 =	vadd.f32 $-1.000000000e+00, v27;
	v63 =	vsel vm12, $0x1E3CE508, v23;
	v24 =	vadd.f32 $3.333333430e-01, v24;
	v55 =	vpop (erf)  }
0x8e: {  	v41 =	vld [tilespmem:$0x370];
	vm12 =	veq.s32 v48, $0x1;
	v30 =	vmul.f32 v55, v19;
	v19 =	vsel vm11, $0x3F800000, v25  }
0x8f: {  	v24 =	vmul.f32 v24, v44;
	v44 =	vld [tilespmem:$0x70];
	v25 =	vadd.f32 v63, v57;
	v59 =	vand.u32 $0x7FFFFF, v19  }
0x90: {  	vm13 =	veq.s32 v49, $0x1;
	v31 =	vmul.f32 v30, v30;
	v26 =	vor.u32 $0x3F800000, v59  }
0x91: {  	v46 =	vld [tilespmem:$0x2F0];
	v23 =	vsel vm3, v25, v23;
	v25 =	vsel vm2, v32, v43;
	v34 =	vmul.f32 $5.000000000e-01, v26  }
0x92: {  	vm1 =	vge.f32 v26, $1.414213540e+00;
	v23 =	vsel vm15, $0x3F800000, v23;
	v25 =	vsel vm12, $0x3F800000, v25  }
0x93: {  	v36 =	vmul.f32 $1.428571490e-01, v31;
	v26 =	vsel vm1, v34, v26;
	v34 =	vadd.f32 $9.999999680e-21, v41  }
0x94: {  	v50 =	vand.u32 $0x7FFFFF, v23;
	vm11 =	vne.s32 v44, $0x0;
	v53 =	vand.u32 $0x7FFFFF, v25  }
0x95: {  	v38 =	vpop (erf);
	vm2 =	vmor vm11, vm9;
	v40 =	vadd.f32 $1.000000000e+00, v26;
	v51 =	vsel vm9, $0x1E3CE508, v34  }
0x96: {  	v27 =	vmul.f32 v38, v27;
	v38 =	vor.u32 $0x3F800000, v50;
	v28 =	vadd.f32 v51, v46  }
0x97: {  	v32 =	vor.u32 $0x3F800000, v53;
	v36 =	vadd.f32 $2.000000030e-01, v36;
	v52 =	vmul.f32 $5.000000000e-01, v38  }
0x98: {  	vm10 =	vge.f32 v38, $1.414213540e+00;
	(erf) = vrcp.f32 v40;
	v28 =	vsel vm2, v28, v34  }
0x99: {  	v57 =	vmul.f32 $5.000000000e-01, v32;
	v29 =	vsel vm10, v52, v38;
	v28 =	vsel vm13, $0x3F800000, v28  }
0x9a: {  	vm14 =	vge.f32 v32, $1.414213540e+00;
	v54 =	vadd.f32 $1.000000000e+00, v29;
	v55 =	vand.u32 $0x7FFFFF, v28  }
0x9b: {  	v36 =	vmul.f32 v36, v31;
	v56 =	vmul.f32 v27, v27;
	v34 =	vor.u32 $0x3F800000, v55  }
0x9c: {  	v32 =	vsel vm14, v57, v32;
	(erf) = vrcp.f32 v54;
	v58 =	vmul.f32 $5.000000000e-01, v34  }
0x9d: {  	v60 =	vadd.f32 $1.000000000e+00, v32;
	v59 =	vmul.f32 $1.428571490e-01, v56;
	vm15 =	vge.f32 v34, $1.414213540e+00  }
0x9e: {  	v24 =	vadd.f32 $1.000000000e+00, v24;
	v36 =	vadd.f32 $3.333333430e-01, v36;
	v33 =	vsel vm15, v58, v34  }
0x9f: {  	v61 =	vadd.f32 $2.000000030e-01, v59;
	(erf) = vrcp.f32 v60;
	v62 =	vadd.f32 $1.000000000e+00, v33  }
0xa0: {  	v20 =	vmul.f32 v24, v20;
	v26 =	vadd.f32 $-1.000000000e+00, v26;
	v31 =	vmul.f32 v36, v31  }
0xa1: {  	v24 =	vmul.f32 v61, v56;
	v63 =	vpop (erf);
	(erf) = vrcp.f32 v62  }
0xa2: {  	v17 =	vshra.s32 v17, $0x17;
	v20 =	vmul.f32 $2.885390040e+00, v20;
	v26 =	vmul.f32 v63, v26  }
0xa3: {  	v39 =	vsel vm0, $0xFFFFFF82, v16;
	v31 =	vadd.f32 $1.000000000e+00, v31;
	v24 =	vadd.f32 $3.333333430e-01, v24  }
0xa4: {  	v20 =	vadd.f32 v21, v20;
	v29 =	vadd.f32 $-1.000000000e+00, v29;
	v38 =	vmul.f32 v26, v26  }
0xa5: {  	v17 =	vadd.s32 v17, v39;
	v30 =	vmul.f32 v31, v30;
	v37 =	vmul.f32 v24, v56;
	v36 =	vpop (erf)  }
0xa6: {  	v20 =	vadd.f32 v20, v22;
	v29 =	vmul.f32 v36, v29;
	v40 =	vmul.f32 $1.428571490e-01, v38  }
0xa7: {  	v17 =	vcvt.s32.f32 v17;
	v42 =	vadd.f32 $-1.000000000e+00, v32;
	v21 =	vadd.f32 $1.000000000e+00, v37  }
0xa8: {  	v30 =	vmul.f32 $2.885390040e+00, v30;
	v43 =	vpop (erf);
	v41 =	vmul.f32 v29, v29;
	v22 =	vadd.f32 $2.000000030e-01, v40  }
0xa9: {  	v44 =	vadd.f32 $-1.000000000e+00, v33;
	v21 =	vmul.f32 v21, v27;
	v31 =	vmul.f32 v43, v42  }
0xaa: {  	v19 =	vshra.s32 v19, $0x17;
	v45 =	vmul.f32 $1.428571490e-01, v41;
	v22 =	vmul.f32 v22, v38;
	v46 =	vpop (erf)  }
0xab: {  	v18 =	vadd.f32 v18, v30;
	v48 =	vmul.f32 v31, v31;
	v27 =	vmul.f32 v46, v44  }
0xac: {  	v21 =	vmul.f32 $2.885390040e+00, v21;
	v47 =	vadd.f32 $2.000000030e-01, v45;
	v22 =	vadd.f32 $3.333333430e-01, v22  }
0xad: {  	v23 =	vshra.s32 v23, $0x17;
	v51 =	vmul.f32 $1.428571490e-01, v48;
	v49 =	vmul.f32 v27, v27  }
0xae: {  	v18 =	vadd.f32 v18, v20;
	v50 =	vmul.f32 v47, v41;
	v52 =	vmul.f32 v22, v38  }
0xaf: {  	v17 =	vadd.f32 v17, v21;
	v32 =	vadd.f32 $2.000000030e-01, v51;
	v53 =	vmul.f32 $1.428571490e-01, v49  }
0xb0: {  	v54 =	vsel vm1, $0xFFFFFF82, v16;
	v20 =	vadd.f32 $3.333333430e-01, v50;
	v21 =	vadd.f32 $1.000000000e+00, v52  }
0xb1: {  	v59 =	vsel vm14, $0xFFFFFF82, v16;
	v56 =	vmul.f32 v32, v48;
	v22 =	vadd.f32 $2.000000030e-01, v53  }
0xb2: {  	v17 =	vadd.f32 v17, v18;
	v18 =	vmul.f32 v20, v41;
	v21 =	vmul.f32 v21, v26  }
0xb3: {  	v19 =	vadd.s32 v19, v54;
	v20 =	vadd.f32 $3.333333430e-01, v56;
	v22 =	vmul.f32 v22, v49  }
0xb4: {  	v19 =	vcvt.s32.f32 v19;
	v18 =	vadd.f32 $1.000000000e+00, v18;
	v21 =	vmul.f32 $2.885390040e+00, v21  }
0xb5: {  	v55 =	vsel vm10, $0xFFFFFF82, v16;
	v20 =	vmul.f32 v20, v48;
	v22 =	vadd.f32 $3.333333430e-01, v22  }
0xb6: {  	v57 =	vadd.s32 v23, v55;
	v18 =	vmul.f32 v18, v29;
	v19 =	vadd.f32 v19, v21  }
0xb7: {  	v58 =	vshra.s32 v25, $0x17;
	v20 =	vadd.f32 $1.000000000e+00, v20;
	v22 =	vmul.f32 v22, v49  }
0xb8: {  	v21 =	vcvt.s32.f32 v57;
	v18 =	vmul.f32 $2.885390040e+00, v18;
	v17 =	vadd.f32 v19, v17  }
0xb9: {  	v19 =	vadd.s32 v58, v59;
	v20 =	vmul.f32 v20, v31;
	v22 =	vadd.f32 $1.000000000e+00, v22  }
0xba: {  	v61 =	vshra.s32 v28, $0x17;
	v19 =	vcvt.s32.f32 v19;
	v18 =	vadd.f32 v21, v18  }
0xbb: {  	v62 =	vsel vm15, $0xFFFFFF82, v16;
	v20 =	vmul.f32 $2.885390040e+00, v20;
	v60 =	vmul.f32 v22, v27  }
0xbc: {  	v17 =	vadd.f32 v18, v17;
	v18 =	vadd.s32 v61, v62  }
0xbd: {  	v19 =	vadd.f32 v19, v20;
	v18 =	vcvt.s32.f32 v18;
	v63 =	vmul.f32 $2.885390040e+00, v60;
	_ =	sdelay $0x1  }
0xbe: {  	v17 =	vadd.f32 v19, v17;
	v18 =	vadd.f32 v18, v63;
	_ =	sdelay $0x1  }
0xbf: {  	v17 =	vadd.f32 v18, v17  }
0xc0: {  	p0 =	sne.s32 s8, $0x1  }
.Ltmp0:
0xc1: {  	[tilespmem:$0x380] =	vst v17;
	(pc) =	sbr.rel @p0 .LBB2_1-.Ltmp0, $4  }
0xc2: {  	[hbm4b:s7+s3] =	stream.linear.scatter [tilespmem:s16], [sflag:$0x2], $0x80, $0x38;
	[tilespmem:$0x400] =	vst v63  }
0xc3: {  	_ =	swait.ge [sflag:s17], $0x80  }
0xc4: {  	[sflag:s17] =	ssyncset.done $0x0  }
0xc5: {  	s8 =	sadd.s32 $0xFFFFFFFF, s8;
	[sflag:s17] =	ssyncadd.s32 $0xFFFFFF80  }
0xc6: {  	_ =	sfence.sel $0x180000  }
0xc7: {  	[bflag:$0x0] =	sbarrier.arrive $0xFFFF  }
0xc8: {  	p0 =	sne.s32 s0, $0x0;
	_ =	strace $0x90000047  }
0xc9: {  	s0 =	sadd.s32 @!p0 $0x100000, s2;
	[bflag:$0x2] =	sbarrier.arrive $0xFFFF  }
0xca: {  	[sflag:s0] =	ssyncadd.tile.s32 @!p0 $0x1;
	_ =	shalt  }
.Lfunc_end2:
_tile_overlayer_lowered:
.L_overlay_start_2:
0xcb: {  	(tag) =	ssettag $0x2  }
0xcc: {  	s0 =	rddreg [dreg:$0x0];
	s2 =	stileid.u32  }
0xcd: {  	s1 =	rddreg [dreg:$0x1];
	p0 =	sne.s32 s2, $0x0  }
0xce: {  	s3 =	rddreg [dreg:$0x2];
	[bflag:$0x3] =	sbarrier.arrive $0xFFFF;
	s2 =	simm.s32 @!p0 $0x1C02  }
0xcf: {  	[timem:s3], [sflag:s2] =	dma.local @!p0 [hbm:s0], s1  }
0xd0: {  	s0 =	simm.s32 @!p0 $0x2  }
0xd1: {  	_ =	swait.ge @!p0 [sflag:s0], s1  }
0xd2: {  	s1 =	ssub.s32 @!p0 $0x0, s1;
	[sflag:s0] =	ssyncset.done @!p0 $0x0  }
0xd3: {  	[sflag:s0] =	ssyncadd.s32 @!p0 s1  }
0xd4: {  	[bflag:$0x3] =	sbarrier.arrive $0xFFFF  }
0xd5: {  	_ =	shalt  }

</sc_bundles>
